<compile_context>
chip_gen: v7x
topology: tpu7x:2x2x1
jax: 0.10.2.dev20260603
libtpu: 0.0.44.dev20260713+nightly
codegen_flags: <defaults>
</compile_context>

<pallas_src>
import functools

import jax
import jax.numpy as jnp
from jax import lax
from jax.experimental import pallas as pl
from jax.experimental.pallas import tpu as pltpu
from jax.experimental.pallas import tpu_sc as plsc

NUM_EXPERTS = 8
TOP_K = 2
HIDDEN = 1024
INTERMEDIATE = 1024
SWIGLU_LIMIT = 7.0
SWIGLU_ALPHA = 1.702
TOKENS = 1024

NPAIRS = TOKENS * TOP_K
BTR = 128
NB = NPAIRS // BTR + NUM_EXPERTS
NROWS = NB * BTR
NW = 32
PPW = NPAIRS // NW
TPW = TOKENS // NW


def _worker_id():
    return lax.axis_index("s") * 2 + lax.axis_index("c")


def _dispatch_body(hid_hbm, tok_hbm, pos_hbm, xs_hbm,
                   tok_v, pos_v, rows_v, sem):
    wid = _worker_id()
    base = wid * PPW
    pltpu.sync_copy(tok_hbm.at[pl.ds(base, PPW)], tok_v)
    pltpu.sync_copy(pos_hbm.at[pl.ds(base, PPW)], pos_v)
    pltpu.async_copy(hid_hbm.at[tok_v], rows_v, sem).wait()
    pltpu.async_copy(rows_v, xs_hbm.at[pos_v], sem).wait()


def _dispatch_sc(hidden_states, tok, pos):
    mesh = plsc.VectorSubcoreMesh(core_axis_name="c", subcore_axis_name="s")
    return pl.kernel(
        _dispatch_body,
        out_type=jax.ShapeDtypeStruct((NROWS, HIDDEN), jnp.float32),
        mesh=mesh,
        scratch_types=[
            pltpu.VMEM((PPW,), jnp.int32),
            pltpu.VMEM((PPW,), jnp.int32),
            pltpu.VMEM((PPW, HIDDEN), jnp.float32),
            pltpu.SemaphoreType.DMA,
        ],
    )(hidden_states, tok, pos)


def _combine_body(ys_hbm, pos_hbm, wb_hbm, out_hbm, pos_v, wb_v, rows_v,
                  out_v, sem):
    wid = _worker_id()
    base = wid * PPW
    pltpu.sync_copy(pos_hbm.at[pl.ds(base, PPW)], pos_v)
    pltpu.sync_copy(wb_hbm.at[pl.ds(base, PPW)], wb_v)
    pltpu.async_copy(ys_hbm.at[pos_v], rows_v, sem).wait()

    def tok_body(t, carry):
        def chunk_body(j, c):
            sl = pl.ds(j * 16, 16)
            out_v[t, sl] = (rows_v[2 * t, sl] * wb_v[2 * t, :]
                            + rows_v[2 * t + 1, sl] * wb_v[2 * t + 1, :])
            return c
        return lax.fori_loop(0, HIDDEN // 16, chunk_body, carry)

    lax.fori_loop(0, TPW, tok_body, 0)
    pltpu.sync_copy(out_v, out_hbm.at[pl.ds(wid * TPW, TPW)])


def _combine_sc(ys, pos, wb):
    mesh = plsc.VectorSubcoreMesh(core_axis_name="c", subcore_axis_name="s")
    return pl.kernel(
        _combine_body,
        out_type=jax.ShapeDtypeStruct((TOKENS, HIDDEN), jnp.float32),
        mesh=mesh,
        scratch_types=[
            pltpu.VMEM((PPW,), jnp.int32),
            pltpu.VMEM((PPW, 16), jnp.float32),
            pltpu.VMEM((PPW, HIDDEN), jnp.float32),
            pltpu.VMEM((TPW, HIDDEN), jnp.float32),
            pltpu.SemaphoreType.DMA,
        ],
    )(ys, pos, wb)


def _gmm_body(be_ref, lv_ref, xs_ref, gup_ref, gub_ref, e_ref, dp_ref,
              dpb_ref, ys_ref):
    i = pl.program_id(0)

    @pl.when(lv_ref[i] != 0)
    def _():
        x = xs_ref[...].astype(jnp.bfloat16)
        h = jnp.dot(x, gup_ref[0].astype(jnp.bfloat16),
                    preferred_element_type=jnp.float32)
        h += gub_ref[0, 0][None, :]
        a = jnp.minimum(h, SWIGLU_LIMIT)
        a = a * jax.nn.sigmoid(SWIGLU_ALPHA * a)
        b = jnp.clip(h, -SWIGLU_LIMIT, SWIGLU_LIMIT) + 1.0
        s = a * pltpu.roll(b, 2 * INTERMEDIATE - 1, axis=1)
        u = jnp.dot(s.astype(jnp.bfloat16), e_ref[...],
                    preferred_element_type=jnp.float32)
        y = jnp.dot(u.astype(jnp.bfloat16), dp_ref[0].astype(jnp.bfloat16),
                    preferred_element_type=jnp.float32)
        y += dpb_ref[0, 0][None, :]
        ys_ref[...] = y


def _gmm_tc(block_expert, live, xs, gup, gub, eye2, dp, dpb):
    grid_spec = pltpu.PrefetchScalarGridSpec(
        num_scalar_prefetch=2,
        grid=(NB,),
        in_specs=[
            pl.BlockSpec((BTR, HIDDEN), lambda i, be, lv: (i, 0)),
            pl.BlockSpec((1, HIDDEN, 2 * INTERMEDIATE),
                         lambda i, be, lv: (be[i], 0, 0)),
            pl.BlockSpec((1, 1, 2 * INTERMEDIATE),
                         lambda i, be, lv: (be[i], 0, 0)),
            pl.BlockSpec((2 * INTERMEDIATE, INTERMEDIATE),
                         lambda i, be, lv: (0, 0)),
            pl.BlockSpec((1, INTERMEDIATE, HIDDEN),
                         lambda i, be, lv: (be[i], 0, 0)),
            pl.BlockSpec((1, 1, HIDDEN), lambda i, be, lv: (be[i], 0, 0)),
        ],
        out_specs=pl.BlockSpec((BTR, HIDDEN), lambda i, be, lv: (i, 0)),
    )
    return pl.pallas_call(
        _gmm_body,
        grid_spec=grid_spec,
        out_shape=jax.ShapeDtypeStruct((NROWS, HIDDEN), jnp.float32),
    )(block_expert, live, xs, gup, gub, eye2, dp, dpb)


def _routing_metadata(router_logits):
    probs = jax.nn.softmax(router_logits, axis=-1)
    topw, topi = lax.top_k(probs, TOP_K)
    topw = topw / jnp.sum(topw, axis=-1, keepdims=True)
    e_flat = topi.reshape(-1).astype(jnp.int32)
    w_flat = topw.reshape(-1)
    onehot = (e_flat[:, None] == jnp.arange(NUM_EXPERTS)[None, :]).astype(
        jnp.int32)
    excl = jnp.cumsum(onehot, axis=0) - onehot
    rank = jnp.take_along_axis(excl, e_flat[:, None], axis=1)[:, 0]
    counts = jnp.sum(onehot, axis=0)
    padded = ((counts + BTR - 1) // BTR) * BTR
    ends = jnp.cumsum(padded)
    offs = ends - padded
    pos = (offs[e_flat] + rank).astype(jnp.int32)
    block_expert = jnp.clip(
        jnp.searchsorted(ends, jnp.arange(NB) * BTR, side='right'),
        0, NUM_EXPERTS - 1).astype(jnp.int32)
    live = (jnp.arange(NB, dtype=jnp.int32) * BTR < ends[-1]).astype(jnp.int32)
    tok = jnp.arange(NPAIRS, dtype=jnp.int32) // TOP_K
    return tok, pos, w_flat, block_expert, live


def kernel(hidden_states, router_logits, gate_up_proj, gate_up_proj_bias,
           down_proj, down_proj_bias):
    tok, pos, w_flat, block_expert, live = _routing_metadata(router_logits)
    eye2 = (jnp.arange(2 * INTERMEDIATE)[:, None]
            == 2 * jnp.arange(INTERMEDIATE)[None, :]).astype(jnp.bfloat16)
    wb = jnp.broadcast_to(w_flat[:, None], (NPAIRS, 16))
    xs = _dispatch_sc(hidden_states, tok, pos)
    ys = _gmm_tc(block_expert, live, xs, gate_up_proj,
                 gate_up_proj_bias[:, None, :], eye2, down_proj,
                 down_proj_bias[:, None, :])
    return _combine_sc(ys, pos, wb)

# --- scband reference (transcript-rebuilt; emitter-appended) ---
"""Pipeline reference for scband-gpt-oss-experts-68796786147991 (READ-ONLY COPY).

The authoritative reference and input builder live on the scoring server;
editing this copy changes nothing except your own understanding.
"""

import jax, jax.numpy as jnp
import numpy as np

NUM_EXPERTS = 8
TOP_K = 2
HIDDEN = 1024
INTERMEDIATE = 1024
SWIGLU_LIMIT = 7.0
SWIGLU_ALPHA = 1.702
TOKENS = 1024


def swiglu(x, alpha=SWIGLU_ALPHA, limit=SWIGLU_LIMIT):
    x_glu = x[..., ::2]
    x_linear = x[..., 1::2]
    x_glu = jnp.minimum(x_glu, limit)
    x_linear = jnp.clip(x_linear, -limit, limit)
    out_glu = x_glu * jax.nn.sigmoid(alpha * x_glu)
    return out_glu * (x_linear + 1.0)


def setup_inputs(seed: int = 0) -> dict:
    key = jax.random.key(seed)
    k1, k2, k3, k4, k5, k6 = jax.random.split(key, 6)
    hidden_states = jax.random.normal(k1, (TOKENS, HIDDEN), dtype=jnp.float32)
    router_logits = jax.random.normal(k2, (TOKENS, NUM_EXPERTS), dtype=jnp.float32)
    # int8 weights + bf16 scales are folded into equivalent float32 weights
    gate_up_proj = jax.random.normal(k3, (NUM_EXPERTS, HIDDEN, 2 * INTERMEDIATE), dtype=jnp.float32) * 0.02
    gate_up_proj_bias = jax.random.normal(k4, (NUM_EXPERTS, 2 * INTERMEDIATE), dtype=jnp.float32) * 0.02
    down_proj = jax.random.normal(k5, (NUM_EXPERTS, INTERMEDIATE, HIDDEN), dtype=jnp.float32) * 0.02
    down_proj_bias = jax.random.normal(k6, (NUM_EXPERTS, HIDDEN), dtype=jnp.float32) * 0.02
    return {
        "hidden_states": hidden_states,
        "router_logits": router_logits,
        "gate_up_proj": gate_up_proj,
        "gate_up_proj_bias": gate_up_proj_bias,
        "down_proj": down_proj,
        "down_proj_bias": down_proj_bias,
    }


def reference(hidden_states, router_logits, gate_up_proj, gate_up_proj_bias, down_proj, down_proj_bias):
    # npu_moe_gating_top_k: softmax over router logits then top-k selection
    probs = jax.nn.softmax(router_logits, axis=-1)
    topk_weights, topk_ids = jax.lax.top_k(probs, TOP_K)  # [T,k]
    topk_weights = topk_weights / jnp.sum(topk_weights, axis=-1, keepdims=True)
    # Routed dispatch/combine expressed as dense combine matrix [T, E]
    onehot = jax.nn.one_hot(topk_ids, NUM_EXPERTS, dtype=hidden_states.dtype)  # [T,k,E]
    combine = jnp.einsum('tk,tke->te', topk_weights, onehot)  # [T,E]
    # Grouped matmul (gate_up) per expert; quant scales folded into weights
    h = jnp.einsum('td,edf->etf', hidden_states, gate_up_proj) + gate_up_proj_bias[:, None, :]
    h = swiglu(h)
    # Grouped matmul (down) per expert
    y = jnp.einsum('etf,efd->etd', h, down_proj) + down_proj_bias[:, None, :]
    # npu_moe_finalize_routing: weighted combine of expert outputs per token
    out = jnp.einsum('etd,te->td', y, combine)
    return out

if __name__ == "__main__":
    import jax
    _d = setup_inputs()
    print(jax.jit(kernel)(*tuple(_d.values())))

</pallas_src>

<mosaic_0001>
#map = affine_map<(d0, d1) -> (0, 0)>
#map1 = affine_map<(d0, d1) -> (0)>
module attributes {stable_mosaic.version = 14 : i64} {
  func.func @_dispatch_body(%arg0: i32, %arg1: i32, %arg2: memref<1024x1024xf32, #tpu.memory_space<hbm>>, %arg3: memref<2048xi32, #tpu.memory_space<hbm>>, %arg4: memref<2048xi32, #tpu.memory_space<hbm>>, %arg5: memref<3072x1024xf32, #tpu.memory_space<hbm>>, %arg6: memref<64xi32, #tpu.memory_space<vmem>>, %arg7: memref<64xi32, #tpu.memory_space<vmem>>, %arg8: memref<64x1024xf32, #tpu.memory_space<vmem>>, %arg9: memref<!tpu.dma_semaphore, #tpu.memory_space<semaphore_mem>>) attributes {dimension_semantics = [#tpu.dimension_semantics<core_parallel>, #tpu.dimension_semantics<subcore_parallel>], iteration_bounds = array<i64: 2, 16>, scalar_prefetch = 0 : i64, scratch_operands = 4 : i64, tpu.core_type = #tpu.core_type<sc_vector_subcore>, window_params = [{transform_indices = #map}, {transform_indices = #map1}, {transform_indices = #map1}, {transform_indices = #map}]} {
    %mul3A = arith.constant 2 : i32
    %mul3A_0 = arith.muli %arg1, %mul3A : i32
    %add3A = arith.addi %mul3A_0, %arg0 : i32
    %mul3A_1 = arith.constant 64 : i32
    %mul3A_2 = arith.muli %add3A, %mul3A_1 : i32
    "tpu.region"() ({
      %run_scoped3A = tpu.sem_alloc : memref<!tpu.dma_semaphore, #tpu.memory_space<semaphore_mem>>
      %dma_start3A_13 = tpu.memref_slice %arg3[%mul3A_2] : memref<2048xi32, #tpu.memory_space<hbm>> -> memref<64xi32, #tpu.memory_space<hbm>>
      %dma_start3A_14 = tpu.memref_slice %arg3[%mul3A_2] : memref<2048xi32, #tpu.memory_space<hbm>> -> memref<64xi32, #tpu.memory_space<hbm>>
      tpu.enqueue_dma source(%dma_start3A_14 : memref<64xi32, #tpu.memory_space<hbm>>) target(%arg6 : memref<64xi32, #tpu.memory_space<vmem>>) target_semaphore(%run_scoped3A : memref<!tpu.dma_semaphore, #tpu.memory_space<semaphore_mem>>)
      %dma_wait3A_15 = tpu.memref_slice %arg3[%mul3A_2] : memref<2048xi32, #tpu.memory_space<hbm>> -> memref<64xi32, #tpu.memory_space<hbm>>
      %dma_wait3A_16 = tpu.memref_slice %arg3[%mul3A_2] : memref<2048xi32, #tpu.memory_space<hbm>> -> memref<64xi32, #tpu.memory_space<hbm>>
      tpu.wait_dma2 semaphore(%run_scoped3A : memref<!tpu.dma_semaphore, #tpu.memory_space<semaphore_mem>>) src(%dma_wait3A_16 : memref<64xi32, #tpu.memory_space<hbm>>) dst(%arg6 : memref<64xi32, #tpu.memory_space<vmem>>)
      tpu.yield
    }) : () -> ()
    "tpu.region"() ({
      %run_scoped3A = tpu.sem_alloc : memref<!tpu.dma_semaphore, #tpu.memory_space<semaphore_mem>>
      %dma_start3A_13 = tpu.memref_slice %arg4[%mul3A_2] : memref<2048xi32, #tpu.memory_space<hbm>> -> memref<64xi32, #tpu.memory_space<hbm>>
      %dma_start3A_14 = tpu.memref_slice %arg4[%mul3A_2] : memref<2048xi32, #tpu.memory_space<hbm>> -> memref<64xi32, #tpu.memory_space<hbm>>
      tpu.enqueue_dma source(%dma_start3A_14 : memref<64xi32, #tpu.memory_space<hbm>>) target(%arg7 : memref<64xi32, #tpu.memory_space<vmem>>) target_semaphore(%run_scoped3A : memref<!tpu.dma_semaphore, #tpu.memory_space<semaphore_mem>>)
      %dma_wait3A_15 = tpu.memref_slice %arg4[%mul3A_2] : memref<2048xi32, #tpu.memory_space<hbm>> -> memref<64xi32, #tpu.memory_space<hbm>>
      %dma_wait3A_16 = tpu.memref_slice %arg4[%mul3A_2] : memref<2048xi32, #tpu.memory_space<hbm>> -> memref<64xi32, #tpu.memory_space<hbm>>
      tpu.wait_dma2 semaphore(%run_scoped3A : memref<!tpu.dma_semaphore, #tpu.memory_space<semaphore_mem>>) src(%dma_wait3A_16 : memref<64xi32, #tpu.memory_space<hbm>>) dst(%arg7 : memref<64xi32, #tpu.memory_space<vmem>>)
      tpu.yield
    }) : () -> ()
    %dma_start3A = arith.constant 0 : i32
    %dma_start3A_3 = arith.constant 0 : i32
    %dma_start3A_4 = tpu.memref_slice %arg2[%dma_start3A, %dma_start3A_3] : memref<1024x1024xf32, #tpu.memory_space<hbm>> -> memref<1024x1024xf32, #tpu.memory_space<hbm>>
    tpu.enqueue_indirect_dma source(%dma_start3A_4 : memref<1024x1024xf32, #tpu.memory_space<hbm>>) target(%arg8 : memref<64x1024xf32, #tpu.memory_space<vmem>>) offsets(%arg6 : memref<64xi32, #tpu.memory_space<vmem>>) semaphore(%arg9 : memref<!tpu.dma_semaphore, #tpu.memory_space<semaphore_mem>>)
    %dma_wait3A = arith.constant 0 : i32
    %dma_wait3A_5 = arith.constant 0 : i32
    %dma_wait3A_6 = tpu.memref_slice %arg2[%dma_wait3A, %dma_wait3A_5] : memref<1024x1024xf32, #tpu.memory_space<hbm>> -> memref<1024x1024xf32, #tpu.memory_space<hbm>>
    tpu.wait_indirect_dma semaphore(%arg9 : memref<!tpu.dma_semaphore, #tpu.memory_space<semaphore_mem>>) src(%dma_wait3A_6 : memref<1024x1024xf32, #tpu.memory_space<hbm>>) dst(%arg8 : memref<64x1024xf32, #tpu.memory_space<vmem>>)
    %dma_start3A_7 = arith.constant 0 : i32
    %dma_start3A_8 = arith.constant 0 : i32
    %dma_start3A_9 = tpu.memref_slice %arg5[%dma_start3A_7, %dma_start3A_8] : memref<3072x1024xf32, #tpu.memory_space<hbm>> -> memref<3072x1024xf32, #tpu.memory_space<hbm>>
    tpu.enqueue_indirect_dma source(%arg8 : memref<64x1024xf32, #tpu.memory_space<vmem>>) target(%dma_start3A_9 : memref<3072x1024xf32, #tpu.memory_space<hbm>>) offsets(%arg7 : memref<64xi32, #tpu.memory_space<vmem>>) semaphore(%arg9 : memref<!tpu.dma_semaphore, #tpu.memory_space<semaphore_mem>>)
    %dma_wait3A_10 = arith.constant 0 : i32
    %dma_wait3A_11 = arith.constant 0 : i32
    %dma_wait3A_12 = tpu.memref_slice %arg5[%dma_wait3A_10, %dma_wait3A_11] : memref<3072x1024xf32, #tpu.memory_space<hbm>> -> memref<3072x1024xf32, #tpu.memory_space<hbm>>
    tpu.wait_indirect_dma semaphore(%arg9 : memref<!tpu.dma_semaphore, #tpu.memory_space<semaphore_mem>>) src(%arg8 : memref<64x1024xf32, #tpu.memory_space<vmem>>) dst(%dma_wait3A_12 : memref<3072x1024xf32, #tpu.memory_space<hbm>>)
    return
  }
}

#map = affine_map<(d0, d1) -> (0, 0)>
#map1 = affine_map<(d0, d1) -> (0)>
module attributes {stable_mosaic.version = 14 : i64} {
  func.func @_combine_body(%arg0: i32, %arg1: i32, %arg2: memref<3072x1024xf32, #tpu.memory_space<hbm>>, %arg3: memref<2048xi32, #tpu.memory_space<hbm>>, %arg4: memref<2048x16xf32, #tpu.memory_space<hbm>>, %arg5: memref<1024x1024xf32, #tpu.memory_space<hbm>>, %arg6: memref<64xi32, #tpu.memory_space<vmem>>, %arg7: memref<64x16xf32, #tpu.memory_space<vmem>>, %arg8: memref<64x1024xf32, #tpu.memory_space<vmem>>, %arg9: memref<32x1024xf32, #tpu.memory_space<vmem>>, %arg10: memref<!tpu.dma_semaphore, #tpu.memory_space<semaphore_mem>>) attributes {dimension_semantics = [#tpu.dimension_semantics<core_parallel>, #tpu.dimension_semantics<subcore_parallel>], iteration_bounds = array<i64: 2, 16>, scalar_prefetch = 0 : i64, scratch_operands = 5 : i64, tpu.core_type = #tpu.core_type<sc_vector_subcore>, window_params = [{transform_indices = #map}, {transform_indices = #map1}, {transform_indices = #map}, {transform_indices = #map}]} {
    %mul3A = arith.constant 2 : i32
    %mul3A_0 = arith.muli %arg1, %mul3A : i32
    %add3A = arith.addi %mul3A_0, %arg0 : i32
    %mul3A_1 = arith.constant 64 : i32
    %mul3A_2 = arith.muli %add3A, %mul3A_1 : i32
    "tpu.region"() ({
      %run_scoped3A = tpu.sem_alloc : memref<!tpu.dma_semaphore, #tpu.memory_space<semaphore_mem>>
      %dma_start3A_14 = tpu.memref_slice %arg3[%mul3A_2] : memref<2048xi32, #tpu.memory_space<hbm>> -> memref<64xi32, #tpu.memory_space<hbm>>
      %dma_start3A_15 = tpu.memref_slice %arg3[%mul3A_2] : memref<2048xi32, #tpu.memory_space<hbm>> -> memref<64xi32, #tpu.memory_space<hbm>>
      tpu.enqueue_dma source(%dma_start3A_15 : memref<64xi32, #tpu.memory_space<hbm>>) target(%arg6 : memref<64xi32, #tpu.memory_space<vmem>>) target_semaphore(%run_scoped3A : memref<!tpu.dma_semaphore, #tpu.memory_space<semaphore_mem>>)
      %dma_wait3A_16 = tpu.memref_slice %arg3[%mul3A_2] : memref<2048xi32, #tpu.memory_space<hbm>> -> memref<64xi32, #tpu.memory_space<hbm>>
      %dma_wait3A_17 = tpu.memref_slice %arg3[%mul3A_2] : memref<2048xi32, #tpu.memory_space<hbm>> -> memref<64xi32, #tpu.memory_space<hbm>>
      tpu.wait_dma2 semaphore(%run_scoped3A : memref<!tpu.dma_semaphore, #tpu.memory_space<semaphore_mem>>) src(%dma_wait3A_17 : memref<64xi32, #tpu.memory_space<hbm>>) dst(%arg6 : memref<64xi32, #tpu.memory_space<vmem>>)
      tpu.yield
    }) : () -> ()
    "tpu.region"() ({
      %run_scoped3A = tpu.sem_alloc : memref<!tpu.dma_semaphore, #tpu.memory_space<semaphore_mem>>
      %dma_start3A_14 = arith.constant 0 : i32
      %dma_start3A_15 = tpu.memref_slice %arg4[%mul3A_2, %dma_start3A_14] : memref<2048x16xf32, #tpu.memory_space<hbm>> -> memref<64x16xf32, #tpu.memory_space<hbm>>
      %dma_start3A_16 = arith.constant 0 : i32
      %dma_start3A_17 = tpu.memref_slice %arg4[%mul3A_2, %dma_start3A_16] : memref<2048x16xf32, #tpu.memory_space<hbm>> -> memref<64x16xf32, #tpu.memory_space<hbm>>
      tpu.enqueue_dma source(%dma_start3A_17 : memref<64x16xf32, #tpu.memory_space<hbm>>) target(%arg7 : memref<64x16xf32, #tpu.memory_space<vmem>>) target_semaphore(%run_scoped3A : memref<!tpu.dma_semaphore, #tpu.memory_space<semaphore_mem>>)
      %dma_wait3A_18 = arith.constant 0 : i32
      %dma_wait3A_19 = tpu.memref_slice %arg4[%mul3A_2, %dma_wait3A_18] : memref<2048x16xf32, #tpu.memory_space<hbm>> -> memref<64x16xf32, #tpu.memory_space<hbm>>
      %dma_wait3A_20 = arith.constant 0 : i32
      %dma_wait3A_21 = tpu.memref_slice %arg4[%mul3A_2, %dma_wait3A_20] : memref<2048x16xf32, #tpu.memory_space<hbm>> -> memref<64x16xf32, #tpu.memory_space<hbm>>
      tpu.wait_dma2 semaphore(%run_scoped3A : memref<!tpu.dma_semaphore, #tpu.memory_space<semaphore_mem>>) src(%dma_wait3A_21 : memref<64x16xf32, #tpu.memory_space<hbm>>) dst(%arg7 : memref<64x16xf32, #tpu.memory_space<vmem>>)
      tpu.yield
    }) : () -> ()
    %dma_start3A = arith.constant 0 : i32
    %dma_start3A_3 = arith.constant 0 : i32
    %dma_start3A_4 = tpu.memref_slice %arg2[%dma_start3A, %dma_start3A_3] : memref<3072x1024xf32, #tpu.memory_space<hbm>> -> memref<3072x1024xf32, #tpu.memory_space<hbm>>
    tpu.enqueue_indirect_dma source(%dma_start3A_4 : memref<3072x1024xf32, #tpu.memory_space<hbm>>) target(%arg8 : memref<64x1024xf32, #tpu.memory_space<vmem>>) offsets(%arg6 : memref<64xi32, #tpu.memory_space<vmem>>) semaphore(%arg10 : memref<!tpu.dma_semaphore, #tpu.memory_space<semaphore_mem>>)
    %dma_wait3A = arith.constant 0 : i32
    %dma_wait3A_5 = arith.constant 0 : i32
    %dma_wait3A_6 = tpu.memref_slice %arg2[%dma_wait3A, %dma_wait3A_5] : memref<3072x1024xf32, #tpu.memory_space<hbm>> -> memref<3072x1024xf32, #tpu.memory_space<hbm>>
    tpu.wait_indirect_dma semaphore(%arg10 : memref<!tpu.dma_semaphore, #tpu.memory_space<semaphore_mem>>) src(%dma_wait3A_6 : memref<3072x1024xf32, #tpu.memory_space<hbm>>) dst(%arg8 : memref<64x1024xf32, #tpu.memory_space<vmem>>)
    %scan3A = arith.constant 0 : i32
    %scan3A_7 = arith.constant 0 : i32
    %scan3A_8 = arith.constant 32 : i32
    %scan3A_9 = arith.addi %scan3A_7, %scan3A_8 : i32
    %scan3A_10 = arith.constant 1 : i32
    scf.for %scan3A_14 = %scan3A_7 to %scan3A_9 step %scan3A_10  : i32 {
      %scan3A_15 = arith.constant 0 : i32
      %scan3A_16 = arith.constant 64 : i32
      %scan3A_17 = arith.addi %scan3A_15, %scan3A_16 : i32
      %scan3A_18 = arith.constant 1 : i32
      scf.for %scan3A_20 = %scan3A_15 to %scan3A_17 step %scan3A_18  : i32 {
        %mul3A_21 = arith.constant 16 : i32
        %mul3A_22 = arith.muli %scan3A_20, %mul3A_21 : i32
        %mul3A_23 = arith.constant 2 : i32
        %mul3A_24 = arith.muli %mul3A_23, %scan3A_14 : i32
        %get3A = arith.index_cast %mul3A_24 : i32 to index
        %get3A_25 = arith.index_cast %mul3A_22 : i32 to index
        %get3A_26 = tpu.vector_load %arg8[%get3A, %get3A_25] {strides = array<i32>} : memref<64x1024xf32, #tpu.memory_space<vmem>>, vector<1x16xf32>,
        %get3A_27 = vector.shape_cast %get3A_26 : vector<1x16xf32> to vector<16xf32>
        %mul3A_28 = arith.constant 2 : i32
        %mul3A_29 = arith.muli %mul3A_28, %scan3A_14 : i32
        %get3A_30 = arith.index_cast %mul3A_29 : i32 to index
        %get3A_31 = arith.constant 0 : index
        %get3A_32 = tpu.vector_load %arg7[%get3A_30, %get3A_31] {strides = array<i32>} : memref<64x16xf32, #tpu.memory_space<vmem>>, vector<1x16xf32>,
        %get3A_33 = vector.shape_cast %get3A_32 : vector<1x16xf32> to vector<16xf32>
        %mul3A_34 = arith.mulf %get3A_27, %get3A_33 : vector<16xf32>
        %mul3A_35 = arith.constant 2 : i32
        %mul3A_36 = arith.muli %mul3A_35, %scan3A_14 : i32
        %add3A_37 = arith.constant 1 : i32
        %add3A_38 = arith.addi %mul3A_36, %add3A_37 : i32
        %get3A_39 = arith.index_cast %add3A_38 : i32 to index
        %get3A_40 = arith.index_cast %mul3A_22 : i32 to index
        %get3A_41 = tpu.vector_load %arg8[%get3A_39, %get3A_40] {strides = array<i32>} : memref<64x1024xf32, #tpu.memory_space<vmem>>, vector<1x16xf32>,
        %get3A_42 = vector.shape_cast %get3A_41 : vector<1x16xf32> to vector<16xf32>
        %mul3A_43 = arith.constant 2 : i32
        %mul3A_44 = arith.muli %mul3A_43, %scan3A_14 : i32
        %add3A_45 = arith.constant 1 : i32
        %add3A_46 = arith.addi %mul3A_44, %add3A_45 : i32
        %get3A_47 = arith.index_cast %add3A_46 : i32 to index
        %get3A_48 = arith.constant 0 : index
        %get3A_49 = tpu.vector_load %arg7[%get3A_47, %get3A_48] {strides = array<i32>} : memref<64x16xf32, #tpu.memory_space<vmem>>, vector<1x16xf32>,
        %get3A_50 = vector.shape_cast %get3A_49 : vector<1x16xf32> to vector<16xf32>
        %mul3A_51 = arith.mulf %get3A_42, %get3A_50 : vector<16xf32>
        %add3A_52 = arith.addf %mul3A_34, %mul3A_51 : vector<16xf32>
        %swap3A = arith.index_cast %scan3A_14 : i32 to index
        %swap3A_53 = arith.index_cast %mul3A_22 : i32 to index
        %swap3A_54 = tpu.vector_load %arg9[%swap3A, %swap3A_53] {strides = array<i32>} : memref<32x1024xf32, #tpu.memory_space<vmem>>, vector<1x16xf32>,
        %swap3A_55 = vector.shape_cast %swap3A_54 : vector<1x16xf32> to vector<16xf32>
        %swap3A_56 = vector.shape_cast %add3A_52 : vector<16xf32> to vector<1x16xf32>
        tpu.vector_store %arg9[%swap3A, %swap3A_53], %swap3A_56 {strides = array<i32>} : memref<32x1024xf32, #tpu.memory_space<vmem>>, vector<1x16xf32>,
      }
      %scan3A_19 = arith.constant 64 : i32
    }
    %scan3A_11 = arith.constant 32 : i32
    %mul3A_12 = arith.constant 32 : i32
    %mul3A_13 = arith.muli %add3A, %mul3A_12 : i32
    "tpu.region"() ({
      %run_scoped3A = tpu.sem_alloc : memref<!tpu.dma_semaphore, #tpu.memory_space<semaphore_mem>>
      %dma_start3A_14 = arith.constant 0 : i32
      %dma_start3A_15 = tpu.memref_slice %arg5[%mul3A_13, %dma_start3A_14] : memref<1024x1024xf32, #tpu.memory_space<hbm>> -> memref<32x1024xf32, #tpu.memory_space<hbm>>
      %dma_start3A_16 = arith.constant 0 : i32
      %dma_start3A_17 = tpu.memref_slice %arg5[%mul3A_13, %dma_start3A_16] : memref<1024x1024xf32, #tpu.memory_space<hbm>> -> memref<32x1024xf32, #tpu.memory_space<hbm>>
      tpu.enqueue_dma source(%arg9 : memref<32x1024xf32, #tpu.memory_space<vmem>>) target(%dma_start3A_17 : memref<32x1024xf32, #tpu.memory_space<hbm>>) target_semaphore(%run_scoped3A : memref<!tpu.dma_semaphore, #tpu.memory_space<semaphore_mem>>)
      %dma_wait3A_18 = arith.constant 0 : i32
      %dma_wait3A_19 = tpu.memref_slice %arg5[%mul3A_13, %dma_wait3A_18] : memref<1024x1024xf32, #tpu.memory_space<hbm>> -> memref<32x1024xf32, #tpu.memory_space<hbm>>
      %dma_wait3A_20 = arith.constant 0 : i32
      %dma_wait3A_21 = tpu.memref_slice %arg5[%mul3A_13, %dma_wait3A_20] : memref<1024x1024xf32, #tpu.memory_space<hbm>> -> memref<32x1024xf32, #tpu.memory_space<hbm>>
      tpu.wait_dma2 semaphore(%run_scoped3A : memref<!tpu.dma_semaphore, #tpu.memory_space<semaphore_mem>>) src(%arg9 : memref<32x1024xf32, #tpu.memory_space<vmem>>) dst(%dma_wait3A_21 : memref<32x1024xf32, #tpu.memory_space<hbm>>)
      tpu.yield
    }) : () -> ()
    return
  }
}

module attributes {stable_mosaic.version = 14 : i64} {
  func.func @_gmm_body(%arg0: i32, %arg1: memref<24xi32, #tpu.memory_space<smem>>, %arg2: memref<24xi32, #tpu.memory_space<smem>>, %arg3: memref<128x1024xf32, #tpu.memory_space<vmem>>, %arg4: memref<1x1024x2048xf32, #tpu.memory_space<vmem>>, %arg5: memref<1x1x2048xf32, #tpu.memory_space<vmem>>, %arg6: memref<2048x1024xbf16, #tpu.memory_space<vmem>>, %arg7: memref<1x1024x1024xf32, #tpu.memory_space<vmem>>, %arg8: memref<1x1x1024xf32, #tpu.memory_space<vmem>>, %arg9: memref<128x1024xf32, #tpu.memory_space<vmem>>) attributes {dimension_semantics = [#tpu.dimension_semantics<arbitrary>], iteration_bounds = array<i64: 24>, scalar_prefetch = 2 : i64, scratch_operands = 0 : i64, tpu.core_type = #tpu.core_type<tc>, window_params = [{transform_indices = @transform_0, window_bounds = array<i64: 128, 1024>}, {transform_indices = @transform_1, window_bounds = array<i64: 1, 1024, 2048>}, {transform_indices = @transform_2, window_bounds = array<i64: 1, 1, 2048>}, {pipeline_mode = #tpu.pipeline_mode<synchronous>, transform_indices = @transform_3, window_bounds = array<i64: 2048, 1024>}, {transform_indices = @transform_4, window_bounds = array<i64: 1, 1024, 1024>}, {transform_indices = @transform_5, window_bounds = array<i64: 1, 1, 1024>}, {transform_indices = @transform_6, window_bounds = array<i64: 128, 1024>}]} {
    %get3A = arith.index_cast %arg0 : i32 to index
    %get3A_0 = memref.load %arg2[%get3A] : memref<24xi32, #tpu.memory_space<smem>>
    %ne3A = arith.constant 0 : i32
    %ne3A_1 = arith.cmpi ne, %get3A_0, %ne3A : i32
    %convert_element_type3A = arith.extui %ne3A_1 : i1 to i32
    %cond3A = arith.constant 0 : i32
    %cond3A_2 = arith.cmpi ne, %convert_element_type3A, %cond3A : i32
    scf.if %cond3A_2 {
      %get3A_3 = arith.constant 0 : index
      %get3A_4 = arith.constant 0 : index
      %get3A_5 = vector.load %arg3[%get3A_3, %get3A_4] : memref<128x1024xf32, #tpu.memory_space<vmem>>, vector<128x1024xf32>
      %convert_element_type3A_6 = arith.truncf %get3A_5 : vector<128x1024xf32> to vector<128x1024xbf16>
      %get3A_7 = arith.constant 0 : index
      %get3A_8 = arith.constant 0 : index
      %get3A_9 = arith.constant 0 : index
      %get3A_10 = vector.load %arg4[%get3A_7, %get3A_8, %get3A_9] : memref<1x1024x2048xf32, #tpu.memory_space<vmem>>, vector<1x1024x2048xf32>
      %get3A_11 = vector.shape_cast %get3A_10 : vector<1x1024x2048xf32> to vector<1024x2048xf32>
      %convert_element_type3A_12 = arith.truncf %get3A_11 : vector<1024x2048xf32> to vector<1024x2048xbf16>
      %dot_general3A = arith.constant dense<0.000000e+00> : vector<128x2048xf32>
      %dot_general3A_13 = tpu.matmul %convert_element_type3A_6, %convert_element_type3A_12, %dot_general3A {dimension_numbers = #tpu.dot_dimension_numbers<[1], [0], [0], [1], [0, 0, 1, 1], [], []>, transpose_lhs_hint = false} : vector<128x1024xbf16>, vector<1024x2048xbf16>, vector<128x2048xf32> -> vector<128x2048xf32>
      %get3A_14 = arith.constant 0 : index
      %get3A_15 = arith.constant 0 : index
      %get3A_16 = arith.constant 0 : index
      %get3A_17 = vector.load %arg5[%get3A_14, %get3A_15, %get3A_16] : memref<1x1x2048xf32, #tpu.memory_space<vmem>>, vector<1x1x2048xf32>
      %get3A_18 = vector.shape_cast %get3A_17 : vector<1x1x2048xf32> to vector<2048xf32>
      %broadcast_in_dim3A = vector.shape_cast %get3A_18 : vector<2048xf32> to vector<1x2048xf32>
      %add3A = vector.broadcast %broadcast_in_dim3A : vector<1x2048xf32> to vector<128x2048xf32>
      %add3A_19 = arith.addf %dot_general3A_13, %add3A : vector<128x2048xf32>
      %min3A = arith.constant 7.000000e+00 : f32
      %min3A_20 = vector.broadcast %min3A : f32 to vector<128x2048xf32>
      %min3A_21 = arith.minimumf %add3A_19, %min3A_20 : vector<128x2048xf32>
      %mul3A = arith.constant 1.702000e+00 : f32
      %mul3A_22 = vector.broadcast %mul3A : f32 to vector<128x2048xf32>
      %mul3A_23 = arith.mulf %mul3A_22, %min3A_21 : vector<128x2048xf32>
      %logistic3A = arith.negf %mul3A_23 : vector<128x2048xf32>
      %logistic3A_24 = math.exp %logistic3A : vector<128x2048xf32>
      %logistic3A_25 = arith.constant 1.000000e+00 : f32
      %logistic3A_26 = vector.broadcast %logistic3A_25 : f32 to vector<128x2048xf32>
      %logistic3A_27 = arith.addf %logistic3A_26, %logistic3A_24 : vector<128x2048xf32>
      %logistic3A_28 = arith.divf %logistic3A_26, %logistic3A_27 : vector<128x2048xf32>
      %mul3A_29 = arith.mulf %min3A_21, %logistic3A_28 : vector<128x2048xf32>
      %jit3A = arith.constant -7.000000e+00 : f32
      %jit3A_30 = arith.constant 7.000000e+00 : f32
      %max3A = vector.broadcast %jit3A : f32 to vector<128x2048xf32>
      %max3A_31 = arith.maximumf %max3A, %add3A_19 : vector<128x2048xf32>
      %min3A_32 = vector.broadcast %jit3A_30 : f32 to vector<128x2048xf32>
      %min3A_33 = arith.minimumf %min3A_32, %max3A_31 : vector<128x2048xf32>
      %add3A_34 = arith.constant 1.000000e+00 : f32
      %add3A_35 = vector.broadcast %add3A_34 : f32 to vector<128x2048xf32>
      %add3A_36 = arith.addf %min3A_33, %add3A_35 : vector<128x2048xf32>
      %roll3A = arith.constant 2047 : i32
      %roll3A_37 = tpu.dynamic_rotate %add3A_36 by %roll3A dim 1 : vector<128x2048xf32>, i32 -> vector<128x2048xf32>
      %mul3A_38 = arith.mulf %mul3A_29, %roll3A_37 : vector<128x2048xf32>
      %convert_element_type3A_39 = arith.truncf %mul3A_38 : vector<128x2048xf32> to vector<128x2048xbf16>
      %get3A_40 = arith.constant 0 : index
      %get3A_41 = arith.constant 0 : index
      %get3A_42 = vector.load %arg6[%get3A_40, %get3A_41] : memref<2048x1024xbf16, #tpu.memory_space<vmem>>, vector<2048x1024xbf16>
      %dot_general3A_43 = arith.constant dense<0.000000e+00> : vector<128x1024xf32>
      %dot_general3A_44 = tpu.matmul %convert_element_type3A_39, %get3A_42, %dot_general3A_43 {dimension_numbers = #tpu.dot_dimension_numbers<[1], [0], [0], [1], [0, 0, 1, 1], [], []>, transpose_lhs_hint = false} : vector<128x2048xbf16>, vector<2048x1024xbf16>, vector<128x1024xf32> -> vector<128x1024xf32>
      %convert_element_type3A_45 = arith.truncf %dot_general3A_44 : vector<128x1024xf32> to vector<128x1024xbf16>
      %get3A_46 = arith.constant 0 : index
      %get3A_47 = arith.constant 0 : index
      %get3A_48 = arith.constant 0 : index
      %get3A_49 = vector.load %arg7[%get3A_46, %get3A_47, %get3A_48] : memref<1x1024x1024xf32, #tpu.memory_space<vmem>>, vector<1x1024x1024xf32>
      %get3A_50 = vector.shape_cast %get3A_49 : vector<1x1024x1024xf32> to vector<1024x1024xf32>
      %convert_element_type3A_51 = arith.truncf %get3A_50 : vector<1024x1024xf32> to vector<1024x1024xbf16>
      %dot_general3A_52 = arith.constant dense<0.000000e+00> : vector<128x1024xf32>
      %dot_general3A_53 = tpu.matmul %convert_element_type3A_45, %convert_element_type3A_51, %dot_general3A_52 {dimension_numbers = #tpu.dot_dimension_numbers<[1], [0], [0], [1], [0, 0, 1, 1], [], []>, transpose_lhs_hint = false} : vector<128x1024xbf16>, vector<1024x1024xbf16>, vector<128x1024xf32> -> vector<128x1024xf32>
      %get3A_54 = arith.constant 0 : index
      %get3A_55 = arith.constant 0 : index
      %get3A_56 = arith.constant 0 : index
      %get3A_57 = vector.load %arg8[%get3A_54, %get3A_55, %get3A_56] : memref<1x1x1024xf32, #tpu.memory_space<vmem>>, vector<1x1x1024xf32>
      %get3A_58 = vector.shape_cast %get3A_57 : vector<1x1x1024xf32> to vector<1024xf32>
      %broadcast_in_dim3A_59 = vector.shape_cast %get3A_58 : vector<1024xf32> to vector<1x1024xf32>
      %add3A_60 = vector.broadcast %broadcast_in_dim3A_59 : vector<1x1024xf32> to vector<128x1024xf32>
      %add3A_61 = arith.addf %dot_general3A_53, %add3A_60 : vector<128x1024xf32>
      %swap3A = arith.constant 0 : index
      %swap3A_62 = arith.constant 0 : index
      %swap3A_63 = vector.load %arg9[%swap3A, %swap3A_62] : memref<128x1024xf32, #tpu.memory_space<vmem>>, vector<128x1024xf32>
      tpu.vector_store %arg9[%swap3A, %swap3A_62], %add3A_61 {strides = array<i32>} : memref<128x1024xf32, #tpu.memory_space<vmem>>, vector<128x1024xf32>,
    } else {
    }
    return
  }
  func.func @transform_0(%arg0: i32, %arg1: memref<24xi32, #tpu.memory_space<smem>>, %arg2: memref<24xi32, #tpu.memory_space<smem>>) -> (i32, i32) {
    %c0_i32 = arith.constant 0 : i32
    %c0_i32_0 = arith.constant 0 : i32
    return %arg0, %c0_i32 : i32, i32
  }
  func.func @transform_1(%arg0: i32, %arg1: memref<24xi32, #tpu.memory_space<smem>>, %arg2: memref<24xi32, #tpu.memory_space<smem>>) -> (i32, i32, i32) {
    %get3A = arith.index_cast %arg0 : i32 to index
    %get3A_0 = memref.load %arg1[%get3A] : memref<24xi32, #tpu.memory_space<smem>>
    %c0_i32 = arith.constant 0 : i32
    %c0_i32_1 = arith.constant 0 : i32
    %c0_i32_2 = arith.constant 0 : i32
    return %get3A_0, %c0_i32, %c0_i32_1 : i32, i32, i32
  }
  func.func @transform_2(%arg0: i32, %arg1: memref<24xi32, #tpu.memory_space<smem>>, %arg2: memref<24xi32, #tpu.memory_space<smem>>) -> (i32, i32, i32) {
    %get3A = arith.index_cast %arg0 : i32 to index
    %get3A_0 = memref.load %arg1[%get3A] : memref<24xi32, #tpu.memory_space<smem>>
    %c0_i32 = arith.constant 0 : i32
    %c0_i32_1 = arith.constant 0 : i32
    %c0_i32_2 = arith.constant 0 : i32
    return %get3A_0, %c0_i32, %c0_i32_1 : i32, i32, i32
  }
  func.func @transform_3(%arg0: i32, %arg1: memref<24xi32, #tpu.memory_space<smem>>, %arg2: memref<24xi32, #tpu.memory_space<smem>>) -> (i32, i32) {
    %c0_i32 = arith.constant 0 : i32
    %c0_i32_0 = arith.constant 0 : i32
    %c0_i32_1 = arith.constant 0 : i32
    return %c0_i32, %c0_i32_0 : i32, i32
  }
  func.func @transform_4(%arg0: i32, %arg1: memref<24xi32, #tpu.memory_space<smem>>, %arg2: memref<24xi32, #tpu.memory_space<smem>>) -> (i32, i32, i32) {
    %get3A = arith.index_cast %arg0 : i32 to index
    %get3A_0 = memref.load %arg1[%get3A] : memref<24xi32, #tpu.memory_space<smem>>
    %c0_i32 = arith.constant 0 : i32
    %c0_i32_1 = arith.constant 0 : i32
    %c0_i32_2 = arith.constant 0 : i32
    return %get3A_0, %c0_i32, %c0_i32_1 : i32, i32, i32
  }
  func.func @transform_5(%arg0: i32, %arg1: memref<24xi32, #tpu.memory_space<smem>>, %arg2: memref<24xi32, #tpu.memory_space<smem>>) -> (i32, i32, i32) {
    %get3A = arith.index_cast %arg0 : i32 to index
    %get3A_0 = memref.load %arg1[%get3A] : memref<24xi32, #tpu.memory_space<smem>>
    %c0_i32 = arith.constant 0 : i32
    %c0_i32_1 = arith.constant 0 : i32
    %c0_i32_2 = arith.constant 0 : i32
    return %get3A_0, %c0_i32, %c0_i32_1 : i32, i32, i32
  }
  func.func @transform_6(%arg0: i32, %arg1: memref<24xi32, #tpu.memory_space<smem>>, %arg2: memref<24xi32, #tpu.memory_space<smem>>) -> (i32, i32) {
    %c0_i32 = arith.constant 0 : i32
    %c0_i32_0 = arith.constant 0 : i32
    return %arg0, %c0_i32 : i32, i32
  }
}

</mosaic_0001>

<sc_bundles>
// kernel: gather_offload_async_start
scs
__scs_entry_jumppad:
0x0: {  	(pc) =	sbr.rel $0x88, $3  }
0x1: {  	(tag) =	ssettag $0x0;
	lr =	simm.s32 $0x1  }
0x2: {  	[smem:$0x3F9B] =	sst lr;
	_ =	strace $0xD0000000  }
0x3: {  	_ = 	snop  }
0x4: {  	_ = 	snop  }
0x5: {  	_ = 	snop  }
0x6: {  	_ = 	snop  }
0x7: {  	_ = 	snop  }
__scs_overlays_trampoline_lowered:
0x8: {  	[smem:$0x3FAA] =	sst s0  }
0x9: {  	[smem:$0x3FAB] =	sst s1  }
0xa: {  	[smem:$0x3FAC] =	sst s2  }
0xb: {  	[smem:$0x3FAD] =	sst s3  }
0xc: {  	[smem:$0x3FAE] =	sst s4  }
0xd: {  	[smem:$0x3FAF] =	sst s5  }
0xe: {  	[smem:$0x3FB0] =	sst s6  }
0xf: {  	[smem:$0x3FB1] =	sst s7  }
0x10: {  	[smem:$0x3FB2] =	sst s8  }
0x11: {  	[smem:$0x3FB3] =	sst s9;
	s0 =	simm.s32 @!p0 $0x0  }
0x12: {  	s1 =	sld [smem:$0x3F99];
	s0 =	simm.s32 @p0 $0x1  }
0x13: {  	[smem:$0x3FB4] =	sst s0;
	s0 =	simm.s32 @!p1 $0x0  }
0x14: {  	s2 =	sld [smem:$0x3F98];
	s0 =	simm.s32 @p1 $0x1  }
0x15: {  	[smem:$0x3FB5] =	sst s0;
	s0 =	simm.s32 @!p2 $0x0  }
0x16: {  	s3 =	sld [smem:$0x3FDB];
	s0 =	simm.s32 @p2 $0x1  }
0x17: {  	s4 =	simm.s32 $0x1BF5;
	[smem:$0x3FB7] =	sst s0  }
0x18: {  	s0 =	sld [smem:$0x3F9A];
	_ =	swait.ge [sflag:s4], $0x0  }
0x19: {  	s7 =	sld [smem:$0x3F9B]  }
0x1a: {  	s8 =	sadd.s32 $0xFFFFE003, lr  }
0x1b: {  	s9 =	sadd.s32 $0xFFFFFEF7, lr;
	s5 =	simm.s32 $0xFFFFFFFF;
	p2 =	slt.u32 s8, $0xFFFFF086  }
0x1c: {  	p1 =	slt.u32 s9, $0xF7A;
	s5 =	simm.s32 @!p2 $0x0  }
0x1d: {  	s5 =	simm.s32 @p1 $0x1;
	p0 =	seq.s32 s7, s2  }
0x1e: {  	s7 =	smul.u32 @!p0 $0xF7A, s2;
	p2 =	seq.s32 @!p0 s5, $0x0  }
0x1f: {  	s9 =	smul.u32 $0xF7A, s1;
	s8 =	simm.s32 @!p0 $0x1BF5;
	p2 =	por !p2, p0  }
0x20: {  	[sflag:s8] =	ssyncset.s32 @!p0 $0xFFFFF086;
	s6 =	sadd.s32 @!p0 s3, s7;
	s7 =	simm.s32 @!p0 $0x108  }
0x21: {  	s3 =	sadd.s32 s3, s9;
	s6 =	sadd.s32 @!p0 $0x88, s6;
	s7 =	simm.s32 @p2 $0x1082  }
0x22: {  	[simem:s7], [sflag:s8] =	dma.local @!p0 [hbm:s6], $0xF7A  }
0x23: {  	s9 =	sor.u32 $0xD0000000, s2;
	s6 =	simm.s32 $0x108;
	_ =	swait.ge @!p0 [sflag:s8], $0x0  }
0x24: {  	s3 =	sadd.s32 $0x88, s3;
	s6 =	simm.s32 @!p1 $0x1082;
	[sflag:s4] =	ssyncset.s32 $0xFFFFF086  }
0x25: {  	[simem:s6], [sflag:s4] =	dma.local [hbm:s3], $0xF7A  }
0x26: {  	[smem:$0x3F9B] =	sst s1;
	(tag) =	ssettag s2;
	_ =	strace s9  }
0x27: {  	s1 =	sld [smem:$0x3FAB]  }
0x28: {  	s2 =	sld [smem:$0x3FAC]  }
0x29: {  	s4 =	sld [smem:$0x3FAE]  }
0x2a: {  	p0 =	seq.s32 s5, $0x0;
	s5 =	sld [smem:$0x3FAF]  }
0x2b: {  	s6 =	sld [smem:$0x3FB0]  }
0x2c: {  	s7 =	sld [smem:$0x3FB1]  }
0x2d: {  	s3 =	simm.s32 $0x108;
	s8 =	sld [smem:$0x3FB2]  }
0x2e: {  	s3 =	simm.s32 @!p0 $0x1082;
	s9 =	sld [smem:$0x3FB3]  }
0x2f: {  	lr =	sadd.s32 s0, s3;
	s0 =	sld [smem:$0x3FAA]  }
0x30: {  	s3 =	sld [smem:$0x3FAD]  }
0x31: {  	[smem:$0x3FB6] =	sst s10  }
0x32: {  	s10 =	sld [smem:$0x3FB4];
	_ =	sdelay $0x3  }
0x33: {  	p0 =	seq.s32 s10, $0x1;
	s10 =	sld [smem:$0x3FB6];
	_ =	sdelay $0x3  }
0x34: {  	[smem:$0x3FB6] =	sst s10  }
0x35: {  	s10 =	sld [smem:$0x3FB5];
	_ =	sdelay $0x3  }
0x36: {  	p1 =	seq.s32 s10, $0x1;
	s10 =	sld [smem:$0x3FB6];
	_ =	sdelay $0x3  }
0x37: {  	[smem:$0x3FB6] =	sst s10  }
0x38: {  	s10 =	sld [smem:$0x3FB7]  }
0x39: {  	_ = 	snop;
	(pc) =	sbr.ind lr, $3  }
0x3a: {  	_ = 	snop  }
0x3b: {  	_ = 	snop  }
0x3c: {  	p2 =	seq.s32 s10, $0x1;
	s10 =	sld [smem:$0x3FB6]  }
0x3d: {  	_ =	shalt  }
0x3e: {  	_ =	shalt  }
0x3f: {  	_ =	shalt  }
0x40: {  	_ =	shalt  }
0x41: {  	_ =	shalt  }
0x42: {  	_ =	shalt  }
0x43: {  	_ =	shalt  }
0x44: {  	_ =	shalt  }
0x45: {  	_ =	shalt  }
0x46: {  	_ =	shalt  }
0x47: {  	_ =	shalt  }
0x48: {  	_ =	shalt  }
0x49: {  	_ =	shalt  }
0x4a: {  	_ =	shalt  }
0x4b: {  	_ =	shalt  }
0x4c: {  	_ =	shalt  }
0x4d: {  	_ =	shalt  }
0x4e: {  	_ =	shalt  }
0x4f: {  	_ =	shalt  }
0x50: {  	_ =	shalt  }
0x51: {  	_ =	shalt  }
0x52: {  	_ =	shalt  }
0x53: {  	_ =	shalt  }
0x54: {  	_ =	shalt  }
0x55: {  	_ =	shalt  }
0x56: {  	_ =	shalt  }
0x57: {  	_ =	shalt  }
0x58: {  	_ =	shalt  }
0x59: {  	_ =	shalt  }
0x5a: {  	_ =	shalt  }
0x5b: {  	_ =	shalt  }
0x5c: {  	_ =	shalt  }
0x5d: {  	_ =	shalt  }
0x5e: {  	_ =	shalt  }
0x5f: {  	_ =	shalt  }
0x60: {  	_ =	shalt  }
0x61: {  	_ =	shalt  }
0x62: {  	_ =	shalt  }
0x63: {  	_ =	shalt  }
0x64: {  	_ =	shalt  }
0x65: {  	_ =	shalt  }
0x66: {  	_ =	shalt  }
0x67: {  	_ =	shalt  }
0x68: {  	_ =	shalt  }
0x69: {  	_ =	shalt  }
0x6a: {  	_ =	shalt  }
0x6b: {  	_ =	shalt  }
0x6c: {  	_ =	shalt  }
0x6d: {  	_ =	shalt  }
0x6e: {  	_ =	shalt  }
0x6f: {  	_ =	shalt  }
0x70: {  	_ =	shalt  }
0x71: {  	_ =	shalt  }
0x72: {  	_ =	shalt  }
0x73: {  	_ =	shalt  }
0x74: {  	_ =	shalt  }
0x75: {  	_ =	shalt  }
0x76: {  	_ =	shalt  }
0x77: {  	_ =	shalt  }
0x78: {  	_ =	shalt  }
0x79: {  	_ =	shalt  }
0x7a: {  	_ =	shalt  }
0x7b: {  	_ =	shalt  }
0x7c: {  	_ =	shalt  }
0x7d: {  	_ =	shalt  }
0x7e: {  	_ =	shalt  }
0x7f: {  	_ =	shalt  }
0x80: {  	_ =	shalt  }
0x81: {  	_ =	shalt  }
0x82: {  	_ =	shalt  }
0x83: {  	_ =	shalt  }
0x84: {  	_ =	shalt  }
0x85: {  	_ =	shalt  }
0x86: {  	_ =	shalt  }
0x87: {  	_ =	shalt  }
.Lfunc_end0:
.L_simem_size_0:
called_computation_lowered:
.L_overlay_start_0:
0x88: {  	s2 =	sld [smem:$0x3FD9]  }
0x89: {  	s3 =	sld [smem:$0x3FFE];
	_ =	sdelay $0x1  }
0x8a: {  	s1 =	srdreg.scid  }
0x8b: {  	s0 =	sand.u32 $0x1, s1  }
0x8c: {  	s17 =	sshll.u32 s0, $0xA;
	s2 =	sadd.s32 s3, s2  }
0x8d: {  	s2 =	sadd.s32 s2, s17  }
0x8e: {  	[smem:$0x3FC2] =	sst s2  }
0x8f: {  	_ = 	snop  }
0x90: {  	s2 =	sld [smem:$0x3FD0];
	(tm) =	ssettm $0x1  }
0x91: {  	s18 =	sld [smem:$0x3FFB];
	_ =	sdelay $0x3  }
0x92: {  	_ =	strace s18  }
0x93: {  	s3 =	sld [smem:$0x3FFC];
	_ =	sdelay $0x3  }
0x94: {  	_ =	strace s3  }
0x95: {  	s3 =	sld [smem:$0x3FFD];
	_ =	sdelay $0x3  }
0x96: {  	_ =	strace s3  }
0x97: {  	_ =	strace $0x8FFFFFFF  }
0x98: {  	s19 =	sld [smem:$0x3FDB];
	_ =	sdelay $0x1  }
0x99: {  	s4 =	simm.s32 $_scs_section_size  }
0x9a: {  	s5 =	simm.s32 $_size__tile_overlayer_lowered;
	s6 =	simm.s32 $_tile_overlayer_lowered  }
0x9b: {  	s22 =	simm.s32 $0x1BFF;
	s21 =	sshll.u32 s6, $0x1;
	s3 =	sadd.s32 s4, s19  }
0x9c: {  	s7 =	simm.s32 $0x0;
	s20 =	sshll.u32 s5, $0x1;
	s5 =	sadd.s32 s21, s3  }
0x9d: {  	[timem:s7], [sflag:s22] =	dma.local [hbm:s5], s20  }
0x9e: {  	_ =	swait.ge [sflag:s22], s20  }
0x9f: {  	s4 =	ssub.s32 $0x0, s20;
	[sflag:s22] =	ssyncset.done $0x0  }
0xa0: {  	[sflag:s22] =	ssyncadd.s32 s4;
	_ =	sdelay $0x1  }
0xa1: {  	s23 =	simm.s32 $0x1B8B  }
0xa2: {  	_ =	swait.ge [sflag:s23], $0x1  }
0xa3: {  	[sflag:s23] =	ssyncset.done $0x0  }
0xa4: {  	s25 =	simm.s32 $0x1B8E;
	s24 =	sld [smem:$0x3FFE];
	[sflag:s23] =	ssyncadd.s32 $0xFFFFFFFF  }
0xa5: {  	s26 =	simm.s32 $execute0_lowered;
	[smem:$0x3FD2] =	sst s25  }
0xa6: {  	s5 =	sshll.u32 s26, $0x1;
	_ =	strace $0x80000046;
	[dreg:$0x1] =	wrdreg $0xFFFFFFFF  }
0xa7: {  	s28 =	simm.s32 $_size_execute0_lowered;
	s3 =	sadd.s32 s3, s5;
	[dreg:$0x0] =	wrdreg $0x0  }
0xa8: {  	s5 =	sshll.u32 s28, $0x1;
	[dreg:$0x2] =	wrdreg s3  }
0xa9: {  	[dreg:$0x3] =	wrdreg s5  }
0xaa: {  	[dreg:$0x4] =	wrdreg $0xC0  }
0xab: {  	_ =	task [dreg:s7], $0x5FFFF  }
0xac: {  	[dreg:$0x1] =	wrdreg $0xFFFFFFFF  }
0xad: {  	[dreg:$0x0] =	wrdreg $0x60  }
0xae: {  	[dreg:$0x2] =	wrdreg s2  }
0xaf: {  	[dreg:$0x3] =	wrdreg s24  }
0xb0: {  	[dreg:$0x4] =	wrdreg $0x9  }
0xb1: {  	_ =	task.clear_ibuf [dreg:s7], $0x5FFFF;
	_ =	strace $0x90000046  }
0xb2: {  	s29 =	simm.s32 $0x9;
	_ =	strace $0x80000048  }
0xb3: {  	_ =	swait.ge [sflag:s29], $0x1  }
0xb4: {  	[sflag:s29] =	ssyncadd.s32 $0xFFFFFFFF  }
0xb5: {  	_ =	strace $0x90000048  }
0xb6: {  	_ =	sfence  }
0xb7: {  	s30 =	sld [smem:$0x0];
	_ =	sdelay $0x2  }
0xb8: {  	s31 =	sshll.u32 s1, $0xD;
	s1 =	sshrl.u32 s1, $0x2  }
0xb9: {  	s3 =	sand.u32 $0x4000, s31;
	s1 =	sadd.s32 s1, s30  }
0xba: {  	s0 =	sor.u32 s3, s0;
	s1 =	sshll.u32 s1, $0x11  }
0xbb: {  	s0 =	sor.u32 s1, s0  }
0xbc: {  	s0 =	sadd.s32 $0x8F2B, s0  }
0xbd: {  	[sflag:s0] =	ssyncadd.remote.s32 $0x1  }
0xbe: {  	_ =	sfence.sel $0xFFFF  }
0xbf: {  	[dreg:$0x0] =	wrdreg $0xFFFFFFFF;
	(pc) =	sbr.abs _section_cstart, $3  }
0xc0: {  	[dreg:$0x1] =	wrdreg $0xFFFFFFFF  }
0xc1: {  	_ =	task.clear_ibuf [dreg:s7], $0x2FFFF;
	_ =	strace $0x9FFFFFFF  }
0xc2: {  	(tm) =	ssettm $0x7FFFFFFF  }
0xc3: {  	_ =	shalt  }
tec
execute0_lowered:
.L_overlay_start_1:
0x0: {  	(tag) =	ssettag $0x1  }
0x1: {  	s1 =	srdreg.scid;
	s2 =	rddreg [dreg:$0x0]  }
0x2: {  	s0 =	stileid.u32;
	s8 =	rddreg [dreg:$0x1]  }
0x3: {  	s5 =	simm.s32 $0x1;
	s9 =	simm.s32 $0x1;
	s1 =	sshll.u32 s1, $0x5  }
0x4: {  	s10 =	simm.s32 $0x3;
	s3 =	sshll.u32 s0, $0x6;
	s4 =	sand.u32 $0x20, s1  }
0x5: {  	s13 =	simm.s32 $0x0;
	s12 =	simm.s32 $0x0;
	s3 =	sor.u32 s3, s4  }
0x6: {  	s1 =	rddreg [dreg:$0x2];
	_ =	strace $0x80000047;
	s7 =	ssub.s32 $0x800, s3  }
.Ltmp0:
0x7: {  	s4 =	sadd.s32 $0x1000, s8;
	s6 =	sand.u32 $0x3E0, s7;
	(pc) =	sbr.rel .LBB2_1-.Ltmp0, $4  }
0x8: {  	[sflag:s5] =	ssyncpa.u1 $0x0;
	s8 =	sadd.s32 $0x1200, s8;
	p0 =	sne.s32 s6, $0x0  }
0x9: {  	s7 =	sshrl.u32 s7, $0xA;
	s6 =	simm.s32 $0x2;
	s9 =	simm.s32 @!p0 $0x0  }
0xa: {  	s11 =	smov.u32 s3;
	[sflag:s6] =	ssyncpa.u1 $0x0;
	s7 =	sadd.s32 s9, s7  }
0xb: {  	vm0 =	vmmov $0xffff;
	[sflag:s10] =	ssyncpa.u1 $0x0;
	s10 =	simm.s32 $0x0;
	s9 =	sadd.s32 $0x1, s7  }
.LBB2_5:
0xc: {  	s15 =	sadd.s32 $0x400, s11  }
0xd: {  	p1 =	sgt.s32 s15, $0x7FF  }
0xe: {  	s15 =	smov.u32 @p1 s3;
	p1 =	sne.s32 s12, s9  }
.Ltmp1:
0xf: {  	p0 =	slt.u32 s12, $0x2;
	(pc) =	sbr.rel @!p1 .LBB2_6-.Ltmp1, $4  }
0x10: {  	s14 =	simm.s32 @!p0 $0x3  }
0x11: {  	_ =	swait.ge @!p0 [sflag:s14], $0x20  }
0x12: {  	s16 =	sadd.s32 $0x1, s12;
	s13 =	smov.u32 s11;
	[sflag:s14] =	ssyncset.done @!p0 $0x0  }
0x13: {  	s12 =	smov.u32 s16;
	s11 =	smov.u32 s15;
	[sflag:s14] =	ssyncadd.s32 @!p0 $0xFFFFFFE0  }
.LBB2_1:
0x14: {  	p0 =	sge.u32 s12, s7  }
0x15: {  	s14 =	sxor.u32 @!p0 $0xFFFFFFFF, s12  }
0x16: {  	s31 =	sadd.s32 $0xFFFFFFFF, s12;
	s15 =	sshrl.u32 @!p0 s11, $0x3;
	s14 =	sshll.u32 @!p0 s14, $0x5  }
0x17: {  	s16 =	sand.u32 @!p0 $0x7, s11;
	s15 =	sadd.s32 @!p0 s4, s15;
	s14 =	sand.u32 @!p0 $0x20, s14  }
0x18: {  	[tilespmem:s14], [sflag:$0x2] =	stream.linear.gather @!p0 [hbm4b:s15+s16], $0x20, $0x38;
	[tilespmem:$0x80] =	vst v63  }
0x19: {  	p0 =	sge.u32 s31, s7  }
.Ltmp2:
0x1a: {  	_ = 	snop;
	(pc) =	sbr.rel @p0 .LBB2_5-.Ltmp2, $1  }
0x1b: {  	_ =	sdelay $0x3  }
0x1c: {  	_ =	swait.ge [sflag:s6], $0x20;
	s14 =	sshll.u32 s12, $0x5;
	s16 =	simm.s32 $0x0  }
0x1d: {  	p0 =	por $0x1, $0x1;
	[sflag:s6] =	ssyncset.done $0x0;
	s15 =	sand.u32 $0x20, s14  }
0x1e: {  	[sflag:s6] =	ssyncadd.s32 $0xFFFFFFE0;
	(ifvalue) =	ssetifvalue $0x7FFFFFFF;
	s14 =	sor.u32 $0x40, s15  }
.LBB2_3:
0x1f: {  	s17 =	sadd.s32 s16, s15  }
0x20: {  	v0 =	vld.msk [tilespmem:s17+$0x0 ss:$0x1], $0xffff;
	_ =	sdelay $0x4  }
0x21: {  	vm1 =	veq.s32 v0, $0x80000000;
	v1 =	vand.u32 $0x7FF, v0;
	v0 =	vshrl.u32 v0, $0xB  }
0x22: {  	v1 =	vsel vm1, $0xFFFFFFFF, v1;
	v0 =	vand.u32 $0x7, v0  }
0x23: {  	v0 =	vsel vm1, $0xFFFFFFFF, v0;
	v2 =	vshll.u32 v1, $0x3  }
0x24: {  	v3 =	vand.u32 $0xFFFFC000, v0;
	v2 =	vand.u32 $0xFFFFFC00, v2;
	v0 =	vshll.u32 v0, $0x7  }
0x25: {  	v2 =	vadd.s32 v2, v3;
	v0 =	vand.u32 $0x380, v0  }
0x26: {  	v1 =	vand.u32 $0x7F, v1;
	v0 =	vor.u32 v0, v2  }
0x27: {  	p1 =	por p0, p0;
	v0 =	vor.u32 v1, v0  }
.Ltmp3:
0x28: {  	_ = 	snop;
	(pc) =	sbr.rel @p1 .LBB2_3-.Ltmp3, $4  }
0x29: {  	_ = 	snop  }
0x2a: {  	s31 =	sadd.s32 s16, s14  }
0x2b: {  	s16 =	simm.s32 $0x10;
	p0 =	por $0x0, $0x0;
	(ifvalue) =	ssetifvalue $0x7FFFFFFF  }
0x2c: {  	[tilespmem:s31], [sflag:$0x1] =	stream.indirect_vreg.gather [hbm4b:s2+s10], $0x1, v0, vm0, $0x4038;
	[tilespmem:$0x80] =	vst v63  }
.Ltmp4:
0x2d: {  	(pc) =	sbr.rel .LBB2_5-.Ltmp4, $4  }
0x2e: {  	_ =	swait.ge [sflag:s5], $0x20  }
0x2f: {  	s15 =	sshrl.u32 s13, $0x3;
	[sflag:s5] =	ssyncset.done $0x0  }
0x30: {  	s31 =	sand.u32 $0x7, s13;
	s15 =	sadd.s32 s8, s15;
	[sflag:s5] =	ssyncadd.s32 $0xFFFFFFE0  }
0x31: {  	[hbm4b:s15+s31] =	stream.linear.scatter [tilespmem:s14], [sflag:$0x3], $0x20, $0x38;
	[tilespmem:$0x80] =	vst v63  }
.LBB2_6:
0x32: {  	_ =	sfence.sel $0x180000  }
0x33: {  	s2 =	simm.s32 $0x2;
	[bflag:$0x0] =	sbarrier.arrive $0xFFFF  }
0x34: {  	s30 =	simm.s32 $0x3;
	[sflag:s2] =	ssyncpa.u1 $0x1  }
0x35: {  	s31 =	simm.s32 $0x1;
	[sflag:s30] =	ssyncpa.u1 $0x1  }
0x36: {  	[sflag:s31] =	ssyncpa.u1 $0x1  }
0x37: {  	p0 =	sne.s32 s0, $0x0;
	_ =	strace $0x90000047  }
0x38: {  	s0 =	sadd.s32 @!p0 $0x100000, s1;
	[bflag:$0x2] =	sbarrier.arrive $0xFFFF  }
0x39: {  	[sflag:s0] =	ssyncadd.tile.s32 @!p0 $0x1;
	_ =	shalt  }
.Lfunc_end2:
_tile_overlayer_lowered:
.L_overlay_start_2:
0x3a: {  	(tag) =	ssettag $0x2  }
0x3b: {  	s0 =	rddreg [dreg:$0x0];
	s2 =	stileid.u32  }
0x3c: {  	s1 =	rddreg [dreg:$0x1];
	p0 =	sne.s32 s2, $0x0  }
0x3d: {  	s3 =	rddreg [dreg:$0x2];
	[bflag:$0x3] =	sbarrier.arrive $0xFFFF;
	s2 =	simm.s32 @!p0 $0x1C01  }
0x3e: {  	[timem:s3], [sflag:s2] =	dma.local @!p0 [hbm:s0], s1  }
0x3f: {  	s0 =	simm.s32 @!p0 $0x1  }
0x40: {  	_ =	swait.ge @!p0 [sflag:s0], s1  }
0x41: {  	s1 =	ssub.s32 @!p0 $0x0, s1;
	[sflag:s0] =	ssyncset.done @!p0 $0x0  }
0x42: {  	[sflag:s0] =	ssyncadd.s32 @!p0 s1  }
0x43: {  	[bflag:$0x3] =	sbarrier.arrive $0xFFFF  }
0x44: {  	_ =	shalt  }

// kernel: kernel.5.cloned.1.call-start
scs
__scs_entry_jumppad:
0x0: {  	(pc) =	sbr.rel $0x88, $3  }
0x1: {  	(tag) =	ssettag $0x0;
	lr =	simm.s32 $0x1  }
0x2: {  	[smem:$0x3F9B] =	sst lr;
	_ =	strace $0xD0000000  }
0x3: {  	_ = 	snop  }
0x4: {  	_ = 	snop  }
0x5: {  	_ = 	snop  }
0x6: {  	_ = 	snop  }
0x7: {  	_ = 	snop  }
__scs_overlays_trampoline_lowered:
0x8: {  	[smem:$0x3FAA] =	sst s0  }
0x9: {  	[smem:$0x3FAB] =	sst s1  }
0xa: {  	[smem:$0x3FAC] =	sst s2  }
0xb: {  	[smem:$0x3FAD] =	sst s3  }
0xc: {  	[smem:$0x3FAE] =	sst s4  }
0xd: {  	[smem:$0x3FAF] =	sst s5  }
0xe: {  	[smem:$0x3FB0] =	sst s6  }
0xf: {  	[smem:$0x3FB1] =	sst s7  }
0x10: {  	[smem:$0x3FB2] =	sst s8  }
0x11: {  	[smem:$0x3FB3] =	sst s9;
	s0 =	simm.s32 @!p0 $0x0  }
0x12: {  	s1 =	sld [smem:$0x3F99];
	s0 =	simm.s32 @p0 $0x1  }
0x13: {  	[smem:$0x3FB4] =	sst s0;
	s0 =	simm.s32 @!p1 $0x0  }
0x14: {  	s2 =	sld [smem:$0x3F98];
	s0 =	simm.s32 @p1 $0x1  }
0x15: {  	[smem:$0x3FB5] =	sst s0;
	s0 =	simm.s32 @!p2 $0x0  }
0x16: {  	s3 =	sld [smem:$0x3FDB];
	s0 =	simm.s32 @p2 $0x1  }
0x17: {  	s4 =	simm.s32 $0x1BF5;
	[smem:$0x3FB7] =	sst s0  }
0x18: {  	s0 =	sld [smem:$0x3F9A];
	_ =	swait.ge [sflag:s4], $0x0  }
0x19: {  	s7 =	sld [smem:$0x3F9B]  }
0x1a: {  	s8 =	sadd.s32 $0xFFFFE003, lr  }
0x1b: {  	s9 =	sadd.s32 $0xFFFFFEF7, lr;
	s5 =	simm.s32 $0xFFFFFFFF;
	p2 =	slt.u32 s8, $0xFFFFF086  }
0x1c: {  	p1 =	slt.u32 s9, $0xF7A;
	s5 =	simm.s32 @!p2 $0x0  }
0x1d: {  	s5 =	simm.s32 @p1 $0x1;
	p0 =	seq.s32 s7, s2  }
0x1e: {  	s7 =	smul.u32 @!p0 $0xF7A, s2;
	p2 =	seq.s32 @!p0 s5, $0x0  }
0x1f: {  	s9 =	smul.u32 $0xF7A, s1;
	s8 =	simm.s32 @!p0 $0x1BF5;
	p2 =	por !p2, p0  }
0x20: {  	[sflag:s8] =	ssyncset.s32 @!p0 $0xFFFFF086;
	s6 =	sadd.s32 @!p0 s3, s7;
	s7 =	simm.s32 @!p0 $0x108  }
0x21: {  	s3 =	sadd.s32 s3, s9;
	s6 =	sadd.s32 @!p0 $0x88, s6;
	s7 =	simm.s32 @p2 $0x1082  }
0x22: {  	[simem:s7], [sflag:s8] =	dma.local @!p0 [hbm:s6], $0xF7A  }
0x23: {  	s9 =	sor.u32 $0xD0000000, s2;
	s6 =	simm.s32 $0x108;
	_ =	swait.ge @!p0 [sflag:s8], $0x0  }
0x24: {  	s3 =	sadd.s32 $0x88, s3;
	s6 =	simm.s32 @!p1 $0x1082;
	[sflag:s4] =	ssyncset.s32 $0xFFFFF086  }
0x25: {  	[simem:s6], [sflag:s4] =	dma.local [hbm:s3], $0xF7A  }
0x26: {  	[smem:$0x3F9B] =	sst s1;
	(tag) =	ssettag s2;
	_ =	strace s9  }
0x27: {  	s1 =	sld [smem:$0x3FAB]  }
0x28: {  	s2 =	sld [smem:$0x3FAC]  }
0x29: {  	s4 =	sld [smem:$0x3FAE]  }
0x2a: {  	p0 =	seq.s32 s5, $0x0;
	s5 =	sld [smem:$0x3FAF]  }
0x2b: {  	s6 =	sld [smem:$0x3FB0]  }
0x2c: {  	s7 =	sld [smem:$0x3FB1]  }
0x2d: {  	s3 =	simm.s32 $0x108;
	s8 =	sld [smem:$0x3FB2]  }
0x2e: {  	s3 =	simm.s32 @!p0 $0x1082;
	s9 =	sld [smem:$0x3FB3]  }
0x2f: {  	lr =	sadd.s32 s0, s3;
	s0 =	sld [smem:$0x3FAA]  }
0x30: {  	s3 =	sld [smem:$0x3FAD]  }
0x31: {  	[smem:$0x3FB6] =	sst s10  }
0x32: {  	s10 =	sld [smem:$0x3FB4];
	_ =	sdelay $0x3  }
0x33: {  	p0 =	seq.s32 s10, $0x1;
	s10 =	sld [smem:$0x3FB6];
	_ =	sdelay $0x3  }
0x34: {  	[smem:$0x3FB6] =	sst s10  }
0x35: {  	s10 =	sld [smem:$0x3FB5];
	_ =	sdelay $0x3  }
0x36: {  	p1 =	seq.s32 s10, $0x1;
	s10 =	sld [smem:$0x3FB6];
	_ =	sdelay $0x3  }
0x37: {  	[smem:$0x3FB6] =	sst s10  }
0x38: {  	s10 =	sld [smem:$0x3FB7]  }
0x39: {  	_ = 	snop;
	(pc) =	sbr.ind lr, $3  }
0x3a: {  	_ = 	snop  }
0x3b: {  	_ = 	snop  }
0x3c: {  	p2 =	seq.s32 s10, $0x1;
	s10 =	sld [smem:$0x3FB6]  }
0x3d: {  	_ =	shalt  }
0x3e: {  	_ =	shalt  }
0x3f: {  	_ =	shalt  }
0x40: {  	_ =	shalt  }
0x41: {  	_ =	shalt  }
0x42: {  	_ =	shalt  }
0x43: {  	_ =	shalt  }
0x44: {  	_ =	shalt  }
0x45: {  	_ =	shalt  }
0x46: {  	_ =	shalt  }
0x47: {  	_ =	shalt  }
0x48: {  	_ =	shalt  }
0x49: {  	_ =	shalt  }
0x4a: {  	_ =	shalt  }
0x4b: {  	_ =	shalt  }
0x4c: {  	_ =	shalt  }
0x4d: {  	_ =	shalt  }
0x4e: {  	_ =	shalt  }
0x4f: {  	_ =	shalt  }
0x50: {  	_ =	shalt  }
0x51: {  	_ =	shalt  }
0x52: {  	_ =	shalt  }
0x53: {  	_ =	shalt  }
0x54: {  	_ =	shalt  }
0x55: {  	_ =	shalt  }
0x56: {  	_ =	shalt  }
0x57: {  	_ =	shalt  }
0x58: {  	_ =	shalt  }
0x59: {  	_ =	shalt  }
0x5a: {  	_ =	shalt  }
0x5b: {  	_ =	shalt  }
0x5c: {  	_ =	shalt  }
0x5d: {  	_ =	shalt  }
0x5e: {  	_ =	shalt  }
0x5f: {  	_ =	shalt  }
0x60: {  	_ =	shalt  }
0x61: {  	_ =	shalt  }
0x62: {  	_ =	shalt  }
0x63: {  	_ =	shalt  }
0x64: {  	_ =	shalt  }
0x65: {  	_ =	shalt  }
0x66: {  	_ =	shalt  }
0x67: {  	_ =	shalt  }
0x68: {  	_ =	shalt  }
0x69: {  	_ =	shalt  }
0x6a: {  	_ =	shalt  }
0x6b: {  	_ =	shalt  }
0x6c: {  	_ =	shalt  }
0x6d: {  	_ =	shalt  }
0x6e: {  	_ =	shalt  }
0x6f: {  	_ =	shalt  }
0x70: {  	_ =	shalt  }
0x71: {  	_ =	shalt  }
0x72: {  	_ =	shalt  }
0x73: {  	_ =	shalt  }
0x74: {  	_ =	shalt  }
0x75: {  	_ =	shalt  }
0x76: {  	_ =	shalt  }
0x77: {  	_ =	shalt  }
0x78: {  	_ =	shalt  }
0x79: {  	_ =	shalt  }
0x7a: {  	_ =	shalt  }
0x7b: {  	_ =	shalt  }
0x7c: {  	_ =	shalt  }
0x7d: {  	_ =	shalt  }
0x7e: {  	_ =	shalt  }
0x7f: {  	_ =	shalt  }
0x80: {  	_ =	shalt  }
0x81: {  	_ =	shalt  }
0x82: {  	_ =	shalt  }
0x83: {  	_ =	shalt  }
0x84: {  	_ =	shalt  }
0x85: {  	_ =	shalt  }
0x86: {  	_ =	shalt  }
0x87: {  	_ =	shalt  }
.Lfunc_end0:
.L_simem_size_0:
called_computation.1_lowered:
.L_overlay_start_0:
0x88: {  	s2 =	sld [smem:$0x3FD9]  }
0x89: {  	s3 =	sld [smem:$0x3FFE];
	_ =	sdelay $0x1  }
0x8a: {  	s1 =	srdreg.scid  }
0x8b: {  	s0 =	sand.u32 $0x1, s1  }
0x8c: {  	s17 =	sshll.u32 s0, $0xA;
	s2 =	sadd.s32 s3, s2  }
0x8d: {  	s2 =	sadd.s32 s2, s17  }
0x8e: {  	[smem:$0x3FC2] =	sst s2  }
0x8f: {  	_ = 	snop  }
0x90: {  	s2 =	sld [smem:$0x3FC9]  }
0x91: {  	s18 =	sld [smem:$0x3FD0];
	(tm) =	ssettm $0x1  }
0x92: {  	s4 =	sld [smem:$0x3FFB];
	_ =	sdelay $0x3  }
0x93: {  	_ =	strace s4  }
0x94: {  	s4 =	sld [smem:$0x3FFC];
	_ =	sdelay $0x3  }
0x95: {  	_ =	strace s4  }
0x96: {  	s4 =	sld [smem:$0x3FFD];
	_ =	sdelay $0x3  }
0x97: {  	_ =	strace s4  }
0x98: {  	_ =	strace $0x8FFFFFFF  }
0x99: {  	s19 =	sld [smem:$0x3FDB];
	_ =	sdelay $0x1  }
0x9a: {  	s5 =	simm.s32 $_scs_section_size  }
0x9b: {  	s6 =	simm.s32 $_size__tile_overlayer_lowered;
	s7 =	simm.s32 $_tile_overlayer_lowered  }
0x9c: {  	s22 =	simm.s32 $0x1BFF;
	s21 =	sshll.u32 s7, $0x1;
	s4 =	sadd.s32 s5, s19  }
0x9d: {  	s8 =	simm.s32 $0x0;
	s20 =	sshll.u32 s6, $0x1;
	s6 =	sadd.s32 s21, s4  }
0x9e: {  	[timem:s8], [sflag:s22] =	dma.local [hbm:s6], s20  }
0x9f: {  	_ =	swait.ge [sflag:s22], s20  }
0xa0: {  	s5 =	ssub.s32 $0x0, s20;
	[sflag:s22] =	ssyncset.done $0x0  }
0xa1: {  	[sflag:s22] =	ssyncadd.s32 s5;
	_ =	sdelay $0x1  }
0xa2: {  	s23 =	simm.s32 $0x1B8B  }
0xa3: {  	_ =	swait.ge [sflag:s23], $0x1  }
0xa4: {  	[sflag:s23] =	ssyncset.done $0x0  }
0xa5: {  	s25 =	simm.s32 $0x1B8E;
	s24 =	sld [smem:$0x3FFE];
	[sflag:s23] =	ssyncadd.s32 $0xFFFFFFFF  }
0xa6: {  	s26 =	simm.s32 $execute0_lowered;
	[smem:$0x3FD2] =	sst s25  }
0xa7: {  	s6 =	sshll.u32 s26, $0x1;
	_ =	strace $0x80000049;
	[dreg:$0x1] =	wrdreg $0xFFFFFFFF  }
0xa8: {  	s28 =	simm.s32 $_size_execute0_lowered;
	s4 =	sadd.s32 s4, s6;
	[dreg:$0x0] =	wrdreg $0x0  }
0xa9: {  	s6 =	sshll.u32 s28, $0x1;
	[dreg:$0x2] =	wrdreg s4  }
0xaa: {  	[dreg:$0x3] =	wrdreg s6  }
0xab: {  	[dreg:$0x4] =	wrdreg $0xC0  }
0xac: {  	_ =	task [dreg:s8], $0x5FFFF  }
0xad: {  	[dreg:$0x1] =	wrdreg $0xFFFFFFFF  }
0xae: {  	[dreg:$0x0] =	wrdreg $0x60  }
0xaf: {  	[dreg:$0x2] =	wrdreg s2  }
0xb0: {  	[dreg:$0x3] =	wrdreg s18  }
0xb1: {  	[dreg:$0x4] =	wrdreg s24  }
0xb2: {  	[dreg:$0x5] =	wrdreg $0x9  }
0xb3: {  	_ =	task.clear_ibuf [dreg:s8], $0x6FFFF;
	_ =	strace $0x90000049  }
0xb4: {  	s29 =	simm.s32 $0x9;
	_ =	strace $0x8000004B  }
0xb5: {  	_ =	swait.ge [sflag:s29], $0x1  }
0xb6: {  	[sflag:s29] =	ssyncadd.s32 $0xFFFFFFFF  }
0xb7: {  	_ =	strace $0x9000004B  }
0xb8: {  	_ =	sfence  }
0xb9: {  	s30 =	sld [smem:$0x0];
	_ =	sdelay $0x2  }
0xba: {  	s31 =	sshll.u32 s1, $0xD;
	s1 =	sshrl.u32 s1, $0x2  }
0xbb: {  	s3 =	sand.u32 $0x4000, s31;
	s1 =	sadd.s32 s1, s30  }
0xbc: {  	s0 =	sor.u32 s3, s0;
	s1 =	sshll.u32 s1, $0x11  }
0xbd: {  	s0 =	sor.u32 s1, s0  }
0xbe: {  	s0 =	sadd.s32 $0x8F2B, s0  }
0xbf: {  	[sflag:s0] =	ssyncadd.remote.s32 $0x1  }
0xc0: {  	_ =	sfence.sel $0xFFFF  }
0xc1: {  	[dreg:$0x0] =	wrdreg $0xFFFFFFFF;
	(pc) =	sbr.abs _section_cstart, $3  }
0xc2: {  	[dreg:$0x1] =	wrdreg $0xFFFFFFFF  }
0xc3: {  	_ =	task.clear_ibuf [dreg:s8], $0x2FFFF;
	_ =	strace $0x9FFFFFFF  }
0xc4: {  	(tm) =	ssettm $0x7FFFFFFF  }
0xc5: {  	_ =	shalt  }
tec
execute0_lowered:
.L_overlay_start_1:
0x0: {  	(tag) =	ssettag $0x1  }
0x1: {  	s1 =	rddreg [dreg:$0x0]  }
0x2: {  	s0 =	rddreg [dreg:$0x1]  }
0x3: {  	s2 =	rddreg [dreg:$0x2]  }
0x4: {  	s3 =	srdreg.scid;
	s4 =	stileid.u32  }
0x5: {  	s28 =	simm.s32 $0x80;
	s29 =	simm.s32 $0x1100;
	s30 =	simm.s32 $0x1900  }
0x6: {  	s31 =	simm.s32 $0x2100;
	s13 =	simm.s32 $0x3900;
	s14 =	simm.s32 $0x4100  }
0x7: {  	s15 =	simm.s32 $0x4900;
	s16 =	simm.s32 $0x5100;
	s17 =	simm.s32 $0x5900  }
0x8: {  	s18 =	simm.s32 $0x6100;
	s19 =	simm.s32 $0x6900;
	s20 =	simm.s32 $0x7100  }
0x9: {  	s21 =	simm.s32 $0x7900;
	s22 =	simm.s32 $0x8100;
	s23 =	simm.s32 $0x8900  }
0xa: {  	s24 =	simm.s32 $0x9100;
	s12 =	simm.s32 $0x9900;
	s5 =	sand.u32 $0x1, s3  }
0xb: {  	s3 =	simm.s32 $0x0;
	s4 =	sshll.u32 s4, $0x4;
	s8 =	sadd.s32 $0x1300, s2  }
0xc: {  	s9 =	sadd.s32 $0x1400, s2;
	s10 =	sadd.s32 $0x1500, s2;
	s6 =	sshll.u32 s5, $0x3  }
0xd: {  	[smem:$0x7FF] =	sst s3;
	s5 =	ssub.s32 $0x2, s5;
	s6 =	sor.u32 s6, s4  }
0xe: {  	_ =	strace $0x8000004A;
	s4 =	sadd.s32 $0x1200, s2;
	s25 =	sshrl.u32 s5, $0x1  }
0xf: {  	[dreg:$0x6] =	wrdreg s28;
	s7 =	sadd.s32 s6, s2;
	s0 =	sadd.s32 s0, s6  }
0x10: {  	v2 =	vlaneseq.u32;
	s11 =	ssub.s32 s5, s25;
	s5 =	sadd.s32 $0x100, s1;
	s6 =	sadd.s32 $0x200, s1  }
0x11: {  	vm0 =	vmmov $0xffff;
	v1 =	vshrl.u32 v2, $0x3;
	s25 =	simm.s32 $0x1;
	[dreg:$0x4] =	wrdreg s0;
	s26 =	sadd.s32 $0x1000, s7  }
0x12: {  	v0 =	vand.u32 $0x7, v2;
	v2 =	vor.u32 $0x8, v2;
	v1 =	vmul.u32 $0x8, v1;
	s7 =	sadd.s32 $0x300, s1;
	s11 =	smax.u32 s11, $0x1;
	[dreg:$0x5] =	wrdreg s26  }
.LBB2_1:
0x13: {  	s26 =	rddreg [dreg:$0x4];
	s0 =	simm.s32 $0x2  }
0x14: {  	[tilespmem:s3], [sflag:$0x2] =	stream.linear.gather [hbm4b:s26+s3], $0x40, $0x38;
	[tilespmem:$0x10100] =	vst v63  }
0x15: {  	_ =	swait.ge [sflag:s0], $0x40  }
0x16: {  	s2 =	rddreg [dreg:$0x5];
	[sflag:s0] =	ssyncset.done $0x0  }
0x17: {  	s28 =	rddreg [dreg:$0x6];
	[sflag:s0] =	ssyncadd.s32 $0xFFFFFFC0  }
0x18: {  	[tilespmem:s28], [sflag:$0x2] =	stream.linear.gather [hbm4b:s2+s3], $0x40, $0x38;
	[tilespmem:$0x10100] =	vst v63  }
0x19: {  	_ =	swait.ge [sflag:s0], $0x40  }
0x1a: {  	[sflag:s0] =	ssyncset.done $0x0  }
0x1b: {  	[sflag:s0] =	ssyncadd.s32 $0xFFFFFFC0  }
0x1c: {  	v3 =	vld [tilespmem:$0x0];
	_ =	sdelay $0x4  }
0x1d: {  	v4 =	vshll.u32 v3, $0x3  }
0x1e: {  	v3 =	vand.u32 $0x7, v3;
	v4 =	vand.u32 $0xFFFFFFC0, v4  }
0x1f: {  	v3 =	vor.u32 v3, v4  }
0x20: {  	v4 =	vperm.xlane v3, v0;
	_ =	sdelay $0x1  }
0x21: {  	v4 =	vadd.s32 v1, v4;
	_ =	sdelay $0x3  }
0x22: {  	s26 =	simm.s32 $0x100  }
0x23: {  	[tilespmem:s26], [sflag:$0x1] =	stream.indirect_vreg.gather [hbm4b:s1+s3], $0x80, v4, vm0, $0xb8;
	[tilespmem:$0x10100] =	vst v63  }
0x24: {  	s28 =	simm.s32 $0x900;
	v3 =	vperm.xlane v3, v2  }
0x25: {  	[tilespmem:s28], [sflag:$0x1] =	stream.indirect_vreg.gather [hbm4b:s5+s3], $0x80, v4, vm0, $0xb8;
	[tilespmem:$0x10100] =	vst v63  }
0x26: {  	v3 =	vadd.s32 v1, v3  }
0x27: {  	[tilespmem:s29], [sflag:$0x1] =	stream.indirect_vreg.gather [hbm4b:s6+s3], $0x80, v4, vm0, $0xb8;
	[tilespmem:$0x10100] =	vst v63  }
0x28: {  	_ = 	snop  }
0x29: {  	[tilespmem:s30], [sflag:$0x1] =	stream.indirect_vreg.gather [hbm4b:s7+s3], $0x80, v4, vm0, $0xb8;
	[tilespmem:$0x10100] =	vst v63  }
0x2a: {  	_ = 	snop  }
0x2b: {  	[tilespmem:s31], [sflag:$0x1] =	stream.indirect_vreg.gather [hbm4b:s1+s3], $0x80, v3, vm0, $0xb8;
	[tilespmem:$0x10100] =	vst v63  }
0x2c: {  	s2 =	simm.s32 $0x2900  }
0x2d: {  	[tilespmem:s2], [sflag:$0x1] =	stream.indirect_vreg.gather [hbm4b:s5+s3], $0x80, v3, vm0, $0xb8;
	[tilespmem:$0x10100] =	vst v63  }
0x2e: {  	s2 =	simm.s32 $0x3100  }
0x2f: {  	[tilespmem:s2], [sflag:$0x1] =	stream.indirect_vreg.gather [hbm4b:s6+s3], $0x80, v3, vm0, $0xb8;
	[tilespmem:$0x10100] =	vst v63  }
0x30: {  	_ = 	snop  }
0x31: {  	[tilespmem:s13], [sflag:$0x1] =	stream.indirect_vreg.gather [hbm4b:s7+s3], $0x80, v3, vm0, $0xb8;
	[tilespmem:$0x10100] =	vst v63  }
0x32: {  	v3 =	vld [tilespmem:$0x10];
	_ =	sdelay $0x4  }
0x33: {  	v57 =	vshll.u32 v3, $0x3  }
0x34: {  	v3 =	vand.u32 $0x7, v3;
	v4 =	vand.u32 $0xFFFFFFC0, v57  }
0x35: {  	v3 =	vor.u32 v3, v4  }
0x36: {  	v4 =	vperm.xlane v3, v0;
	_ =	sdelay $0x1  }
0x37: {  	v4 =	vadd.s32 v1, v4;
	_ =	sdelay $0x4  }
0x38: {  	[tilespmem:s14], [sflag:$0x1] =	stream.indirect_vreg.gather [hbm4b:s1+s3], $0x80, v4, vm0, $0xb8;
	[tilespmem:$0x10100] =	vst v63  }
0x39: {  	v3 =	vperm.xlane v3, v2  }
0x3a: {  	[tilespmem:s15], [sflag:$0x1] =	stream.indirect_vreg.gather [hbm4b:s5+s3], $0x80, v4, vm0, $0xb8;
	[tilespmem:$0x10100] =	vst v63  }
0x3b: {  	v3 =	vadd.s32 v1, v3  }
0x3c: {  	[tilespmem:s16], [sflag:$0x1] =	stream.indirect_vreg.gather [hbm4b:s6+s3], $0x80, v4, vm0, $0xb8;
	[tilespmem:$0x10100] =	vst v63  }
0x3d: {  	_ = 	snop  }
0x3e: {  	[tilespmem:s17], [sflag:$0x1] =	stream.indirect_vreg.gather [hbm4b:s7+s3], $0x80, v4, vm0, $0xb8;
	[tilespmem:$0x10100] =	vst v63  }
0x3f: {  	_ = 	snop  }
0x40: {  	[tilespmem:s18], [sflag:$0x1] =	stream.indirect_vreg.gather [hbm4b:s1+s3], $0x80, v3, vm0, $0xb8;
	[tilespmem:$0x10100] =	vst v63  }
0x41: {  	_ = 	snop  }
0x42: {  	[tilespmem:s19], [sflag:$0x1] =	stream.indirect_vreg.gather [hbm4b:s5+s3], $0x80, v3, vm0, $0xb8;
	[tilespmem:$0x10100] =	vst v63  }
0x43: {  	_ = 	snop  }
0x44: {  	[tilespmem:s20], [sflag:$0x1] =	stream.indirect_vreg.gather [hbm4b:s6+s3], $0x80, v3, vm0, $0xb8;
	[tilespmem:$0x10100] =	vst v63  }
0x45: {  	_ = 	snop  }
0x46: {  	[tilespmem:s21], [sflag:$0x1] =	stream.indirect_vreg.gather [hbm4b:s7+s3], $0x80, v3, vm0, $0xb8;
	[tilespmem:$0x10100] =	vst v63  }
0x47: {  	v3 =	vld [tilespmem:$0x20];
	_ =	sdelay $0x4  }
0x48: {  	v58 =	vshll.u32 v3, $0x3  }
0x49: {  	v3 =	vand.u32 $0x7, v3;
	v4 =	vand.u32 $0xFFFFFFC0, v58  }
0x4a: {  	v3 =	vor.u32 v3, v4  }
0x4b: {  	v4 =	vperm.xlane v3, v0;
	_ =	sdelay $0x1  }
0x4c: {  	v4 =	vadd.s32 v1, v4;
	_ =	sdelay $0x4  }
0x4d: {  	[tilespmem:s22], [sflag:$0x1] =	stream.indirect_vreg.gather [hbm4b:s1+s3], $0x80, v4, vm0, $0xb8;
	[tilespmem:$0x10100] =	vst v63  }
0x4e: {  	v3 =	vperm.xlane v3, v2  }
0x4f: {  	[tilespmem:s23], [sflag:$0x1] =	stream.indirect_vreg.gather [hbm4b:s5+s3], $0x80, v4, vm0, $0xb8;
	[tilespmem:$0x10100] =	vst v63  }
0x50: {  	v3 =	vadd.s32 v1, v3  }
0x51: {  	[tilespmem:s24], [sflag:$0x1] =	stream.indirect_vreg.gather [hbm4b:s6+s3], $0x80, v4, vm0, $0xb8;
	[tilespmem:$0x10100] =	vst v63  }
0x52: {  	_ = 	snop  }
0x53: {  	[tilespmem:s12], [sflag:$0x1] =	stream.indirect_vreg.gather [hbm4b:s7+s3], $0x80, v4, vm0, $0xb8;
	[tilespmem:$0x10100] =	vst v63  }
0x54: {  	s0 =	simm.s32 $0xA100  }
0x55: {  	[tilespmem:s0], [sflag:$0x1] =	stream.indirect_vreg.gather [hbm4b:s1+s3], $0x80, v3, vm0, $0xb8;
	[tilespmem:$0x10100] =	vst v63  }
0x56: {  	s0 =	simm.s32 $0xA900  }
0x57: {  	[tilespmem:s0], [sflag:$0x1] =	stream.indirect_vreg.gather [hbm4b:s5+s3], $0x80, v3, vm0, $0xb8;
	[tilespmem:$0x10100] =	vst v63  }
0x58: {  	s0 =	simm.s32 $0xB100  }
0x59: {  	[tilespmem:s0], [sflag:$0x1] =	stream.indirect_vreg.gather [hbm4b:s6+s3], $0x80, v3, vm0, $0xb8;
	[tilespmem:$0x10100] =	vst v63  }
0x5a: {  	s0 =	simm.s32 $0xB900  }
0x5b: {  	[tilespmem:s0], [sflag:$0x1] =	stream.indirect_vreg.gather [hbm4b:s7+s3], $0x80, v3, vm0, $0xb8;
	[tilespmem:$0x10100] =	vst v63  }
0x5c: {  	v3 =	vld [tilespmem:$0x30];
	_ =	sdelay $0x4  }
0x5d: {  	v59 =	vshll.u32 v3, $0x3  }
0x5e: {  	v3 =	vand.u32 $0x7, v3;
	v4 =	vand.u32 $0xFFFFFFC0, v59  }
0x5f: {  	v3 =	vor.u32 v3, v4  }
0x60: {  	v4 =	vperm.xlane v3, v0;
	_ =	sdelay $0x1  }
0x61: {  	v4 =	vadd.s32 v1, v4;
	_ =	sdelay $0x3  }
0x62: {  	s0 =	simm.s32 $0xC100  }
0x63: {  	[tilespmem:s0], [sflag:$0x1] =	stream.indirect_vreg.gather [hbm4b:s1+s3], $0x80, v4, vm0, $0xb8;
	[tilespmem:$0x10100] =	vst v63  }
0x64: {  	v3 =	vperm.xlane v3, v2;
	s0 =	simm.s32 $0xC900  }
0x65: {  	[tilespmem:s0], [sflag:$0x1] =	stream.indirect_vreg.gather [hbm4b:s5+s3], $0x80, v4, vm0, $0xb8;
	[tilespmem:$0x10100] =	vst v63  }
0x66: {  	v3 =	vadd.s32 v1, v3;
	s0 =	simm.s32 $0xD100  }
0x67: {  	[tilespmem:s0], [sflag:$0x1] =	stream.indirect_vreg.gather [hbm4b:s6+s3], $0x80, v4, vm0, $0xb8;
	[tilespmem:$0x10100] =	vst v63  }
0x68: {  	s0 =	simm.s32 $0xD900  }
0x69: {  	[tilespmem:s0], [sflag:$0x1] =	stream.indirect_vreg.gather [hbm4b:s7+s3], $0x80, v4, vm0, $0xb8;
	[tilespmem:$0x10100] =	vst v63  }
0x6a: {  	s0 =	simm.s32 $0xE100  }
0x6b: {  	[tilespmem:s0], [sflag:$0x1] =	stream.indirect_vreg.gather [hbm4b:s1+s3], $0x80, v3, vm0, $0xb8;
	[tilespmem:$0x10100] =	vst v63  }
0x6c: {  	s0 =	simm.s32 $0xE900  }
0x6d: {  	[tilespmem:s0], [sflag:$0x1] =	stream.indirect_vreg.gather [hbm4b:s5+s3], $0x80, v3, vm0, $0xb8;
	[tilespmem:$0x10100] =	vst v63  }
0x6e: {  	s0 =	simm.s32 $0xF100  }
0x6f: {  	[tilespmem:s0], [sflag:$0x1] =	stream.indirect_vreg.gather [hbm4b:s6+s3], $0x80, v3, vm0, $0xb8;
	[tilespmem:$0x10100] =	vst v63  }
0x70: {  	s0 =	simm.s32 $0xF900  }
0x71: {  	[tilespmem:s0], [sflag:$0x1] =	stream.indirect_vreg.gather [hbm4b:s7+s3], $0x80, v3, vm0, $0xb8;
	[tilespmem:$0x10100] =	vst v63  }
0x72: {  	_ =	swait.ge [sflag:s25], $0x10000  }
0x73: {  	[sflag:s25] =	ssyncset.done $0x0  }
0x74: {  	[sflag:s25] =	ssyncadd.s32 $0xFFFF0000  }
0x75: {  	v3 =	vld [tilespmem:$0x80];
	_ =	sdelay $0x4  }
0x76: {  	v60 =	vshll.u32 v3, $0x3  }
0x77: {  	v3 =	vand.u32 $0x7, v3;
	v4 =	vand.u32 $0xFFFFFFC0, v60  }
0x78: {  	v3 =	vor.u32 v3, v4  }
0x79: {  	v4 =	vperm.xlane v3, v0;
	_ =	sdelay $0x1  }
0x7a: {  	v4 =	vadd.s32 v1, v4;
	_ =	sdelay $0x4  }
0x7b: {  	[hbm4b:s4+s3] =	stream.indirect_vreg.scatter [tilespmem:s26], [sflag:$0x1], $0x80, v4, vm0, $0xb8;
	[tilespmem:$0x10100] =	vst v63  }
0x7c: {  	v3 =	vperm.xlane v3, v2  }
0x7d: {  	[hbm4b:s8+s3] =	stream.indirect_vreg.scatter [tilespmem:s28], [sflag:$0x1], $0x80, v4, vm0, $0xb8;
	[tilespmem:$0x10100] =	vst v63  }
0x7e: {  	v3 =	vadd.s32 v1, v3  }
0x7f: {  	[hbm4b:s9+s3] =	stream.indirect_vreg.scatter [tilespmem:s29], [sflag:$0x1], $0x80, v4, vm0, $0xb8;
	[tilespmem:$0x10100] =	vst v63  }
0x80: {  	_ = 	snop  }
0x81: {  	[hbm4b:s10+s3] =	stream.indirect_vreg.scatter [tilespmem:s30], [sflag:$0x1], $0x80, v4, vm0, $0xb8;
	[tilespmem:$0x10100] =	vst v63  }
0x82: {  	_ = 	snop  }
0x83: {  	[hbm4b:s4+s3] =	stream.indirect_vreg.scatter [tilespmem:s31], [sflag:$0x1], $0x80, v3, vm0, $0xb8;
	[tilespmem:$0x10100] =	vst v63  }
0x84: {  	s28 =	simm.s32 $0x2900  }
0x85: {  	[hbm4b:s8+s3] =	stream.indirect_vreg.scatter [tilespmem:s28], [sflag:$0x1], $0x80, v3, vm0, $0xb8;
	[tilespmem:$0x10100] =	vst v63  }
0x86: {  	_ = 	snop  }
0x87: {  	[hbm4b:s9+s3] =	stream.indirect_vreg.scatter [tilespmem:s2], [sflag:$0x1], $0x80, v3, vm0, $0xb8;
	[tilespmem:$0x10100] =	vst v63  }
0x88: {  	_ = 	snop  }
0x89: {  	[hbm4b:s10+s3] =	stream.indirect_vreg.scatter [tilespmem:s13], [sflag:$0x1], $0x80, v3, vm0, $0xb8;
	[tilespmem:$0x10100] =	vst v63  }
0x8a: {  	v3 =	vld [tilespmem:$0x90];
	_ =	sdelay $0x4  }
0x8b: {  	v61 =	vshll.u32 v3, $0x3  }
0x8c: {  	v3 =	vand.u32 $0x7, v3;
	v4 =	vand.u32 $0xFFFFFFC0, v61  }
0x8d: {  	v3 =	vor.u32 v3, v4  }
0x8e: {  	v4 =	vperm.xlane v3, v0;
	_ =	sdelay $0x1  }
0x8f: {  	v4 =	vadd.s32 v1, v4;
	_ =	sdelay $0x4  }
0x90: {  	[hbm4b:s4+s3] =	stream.indirect_vreg.scatter [tilespmem:s14], [sflag:$0x1], $0x80, v4, vm0, $0xb8;
	[tilespmem:$0x10100] =	vst v63  }
0x91: {  	v3 =	vperm.xlane v3, v2  }
0x92: {  	[hbm4b:s8+s3] =	stream.indirect_vreg.scatter [tilespmem:s15], [sflag:$0x1], $0x80, v4, vm0, $0xb8;
	[tilespmem:$0x10100] =	vst v63  }
0x93: {  	v3 =	vadd.s32 v1, v3  }
0x94: {  	[hbm4b:s9+s3] =	stream.indirect_vreg.scatter [tilespmem:s16], [sflag:$0x1], $0x80, v4, vm0, $0xb8;
	[tilespmem:$0x10100] =	vst v63  }
0x95: {  	_ = 	snop  }
0x96: {  	[hbm4b:s10+s3] =	stream.indirect_vreg.scatter [tilespmem:s17], [sflag:$0x1], $0x80, v4, vm0, $0xb8;
	[tilespmem:$0x10100] =	vst v63  }
0x97: {  	_ = 	snop  }
0x98: {  	[hbm4b:s4+s3] =	stream.indirect_vreg.scatter [tilespmem:s18], [sflag:$0x1], $0x80, v3, vm0, $0xb8;
	[tilespmem:$0x10100] =	vst v63  }
0x99: {  	_ = 	snop  }
0x9a: {  	[hbm4b:s8+s3] =	stream.indirect_vreg.scatter [tilespmem:s19], [sflag:$0x1], $0x80, v3, vm0, $0xb8;
	[tilespmem:$0x10100] =	vst v63  }
0x9b: {  	_ = 	snop  }
0x9c: {  	[hbm4b:s9+s3] =	stream.indirect_vreg.scatter [tilespmem:s20], [sflag:$0x1], $0x80, v3, vm0, $0xb8;
	[tilespmem:$0x10100] =	vst v63  }
0x9d: {  	_ = 	snop  }
0x9e: {  	[hbm4b:s10+s3] =	stream.indirect_vreg.scatter [tilespmem:s21], [sflag:$0x1], $0x80, v3, vm0, $0xb8;
	[tilespmem:$0x10100] =	vst v63  }
0x9f: {  	v3 =	vld [tilespmem:$0xA0];
	_ =	sdelay $0x4  }
0xa0: {  	v62 =	vshll.u32 v3, $0x3  }
0xa1: {  	v3 =	vand.u32 $0x7, v3;
	v4 =	vand.u32 $0xFFFFFFC0, v62  }
0xa2: {  	v3 =	vor.u32 v3, v4  }
0xa3: {  	v4 =	vperm.xlane v3, v0;
	_ =	sdelay $0x1  }
0xa4: {  	v4 =	vadd.s32 v1, v4;
	_ =	sdelay $0x4  }
0xa5: {  	[hbm4b:s4+s3] =	stream.indirect_vreg.scatter [tilespmem:s22], [sflag:$0x1], $0x80, v4, vm0, $0xb8;
	[tilespmem:$0x10100] =	vst v63  }
0xa6: {  	v3 =	vperm.xlane v3, v2  }
0xa7: {  	[hbm4b:s8+s3] =	stream.indirect_vreg.scatter [tilespmem:s23], [sflag:$0x1], $0x80, v4, vm0, $0xb8;
	[tilespmem:$0x10100] =	vst v63  }
0xa8: {  	v3 =	vadd.s32 v1, v3  }
0xa9: {  	[hbm4b:s9+s3] =	stream.indirect_vreg.scatter [tilespmem:s24], [sflag:$0x1], $0x80, v4, vm0, $0xb8;
	[tilespmem:$0x10100] =	vst v63  }
0xaa: {  	_ = 	snop  }
0xab: {  	[hbm4b:s10+s3] =	stream.indirect_vreg.scatter [tilespmem:s12], [sflag:$0x1], $0x80, v4, vm0, $0xb8;
	[tilespmem:$0x10100] =	vst v63  }
0xac: {  	s28 =	simm.s32 $0xA100  }
0xad: {  	[hbm4b:s4+s3] =	stream.indirect_vreg.scatter [tilespmem:s28], [sflag:$0x1], $0x80, v3, vm0, $0xb8;
	[tilespmem:$0x10100] =	vst v63  }
0xae: {  	s26 =	simm.s32 $0xA900  }
0xaf: {  	[hbm4b:s8+s3] =	stream.indirect_vreg.scatter [tilespmem:s26], [sflag:$0x1], $0x80, v3, vm0, $0xb8;
	[tilespmem:$0x10100] =	vst v63  }
0xb0: {  	s28 =	simm.s32 $0xB100  }
0xb1: {  	[hbm4b:s9+s3] =	stream.indirect_vreg.scatter [tilespmem:s28], [sflag:$0x1], $0x80, v3, vm0, $0xb8;
	[tilespmem:$0x10100] =	vst v63  }
0xb2: {  	s26 =	simm.s32 $0xB900  }
0xb3: {  	[hbm4b:s10+s3] =	stream.indirect_vreg.scatter [tilespmem:s26], [sflag:$0x1], $0x80, v3, vm0, $0xb8;
	[tilespmem:$0x10100] =	vst v63  }
0xb4: {  	v3 =	vld [tilespmem:$0xB0];
	_ =	sdelay $0x4  }
0xb5: {  	v63 =	vshll.u32 v3, $0x3  }
0xb6: {  	v3 =	vand.u32 $0x7, v3;
	v4 =	vand.u32 $0xFFFFFFC0, v63  }
0xb7: {  	v3 =	vor.u32 v3, v4  }
0xb8: {  	v4 =	vperm.xlane v3, v0;
	_ =	sdelay $0x1  }
0xb9: {  	v4 =	vadd.s32 v1, v4;
	_ =	sdelay $0x3  }
0xba: {  	s28 =	simm.s32 $0xC100  }
0xbb: {  	[hbm4b:s4+s3] =	stream.indirect_vreg.scatter [tilespmem:s28], [sflag:$0x1], $0x80, v4, vm0, $0xb8;
	[tilespmem:$0x10100] =	vst v63  }
0xbc: {  	s26 =	simm.s32 $0xC900;
	v3 =	vperm.xlane v3, v2  }
0xbd: {  	[hbm4b:s8+s3] =	stream.indirect_vreg.scatter [tilespmem:s26], [sflag:$0x1], $0x80, v4, vm0, $0xb8;
	[tilespmem:$0x10100] =	vst v63  }
0xbe: {  	v3 =	vadd.s32 v1, v3;
	s28 =	simm.s32 $0xD100  }
0xbf: {  	[hbm4b:s9+s3] =	stream.indirect_vreg.scatter [tilespmem:s28], [sflag:$0x1], $0x80, v4, vm0, $0xb8;
	[tilespmem:$0x10100] =	vst v63  }
0xc0: {  	s26 =	simm.s32 $0xD900  }
0xc1: {  	[hbm4b:s10+s3] =	stream.indirect_vreg.scatter [tilespmem:s26], [sflag:$0x1], $0x80, v4, vm0, $0xb8;
	[tilespmem:$0x10100] =	vst v63  }
0xc2: {  	s28 =	simm.s32 $0xE100  }
0xc3: {  	[hbm4b:s4+s3] =	stream.indirect_vreg.scatter [tilespmem:s28], [sflag:$0x1], $0x80, v3, vm0, $0xb8;
	[tilespmem:$0x10100] =	vst v63  }
0xc4: {  	s26 =	simm.s32 $0xE900  }
0xc5: {  	[hbm4b:s8+s3] =	stream.indirect_vreg.scatter [tilespmem:s26], [sflag:$0x1], $0x80, v3, vm0, $0xb8;
	[tilespmem:$0x10100] =	vst v63  }
0xc6: {  	p0 =	sne.s32 s11, $0x1;
	s28 =	simm.s32 $0xF100  }
0xc7: {  	[hbm4b:s9+s3] =	stream.indirect_vreg.scatter [tilespmem:s28], [sflag:$0x1], $0x80, v3, vm0, $0xb8;
	[tilespmem:$0x10100] =	vst v63  }
.Ltmp0:
0xc8: {  	_ = 	snop;
	(pc) =	sbr.rel @p0 .LBB2_1-.Ltmp0, $4  }
0xc9: {  	[hbm4b:s10+s3] =	stream.indirect_vreg.scatter [tilespmem:s0], [sflag:$0x1], $0x80, v3, vm0, $0xb8;
	[tilespmem:$0x10100] =	vst v63  }
0xca: {  	_ =	swait.ge [sflag:s25], $0x10000  }
0xcb: {  	[sflag:s25] =	ssyncset.done $0x0  }
0xcc: {  	s11 =	sadd.s32 $0xFFFFFFFF, s11;
	[sflag:s25] =	ssyncadd.s32 $0xFFFF0000  }
0xcd: {  	_ =	sfence.sel $0x180000  }
0xce: {  	[bflag:$0x0] =	sbarrier.arrive $0xFFFF  }
0xcf: {  	_ =	strace $0x9000004A  }
0xd0: {  	s0 =	stileid.u32;
	[bflag:$0x2] =	sbarrier.arrive $0xFFFF  }
0xd1: {  	p0 =	sne.s32 s0, $0x0;
	s0 =	rddreg [dreg:$0x3]  }
0xd2: {  	s0 =	sadd.s32 @!p0 $0x100000, s0  }
0xd3: {  	[sflag:s0] =	ssyncadd.tile.s32 @!p0 $0x1;
	_ =	shalt  }
.Lfunc_end2:
_tile_overlayer_lowered:
.L_overlay_start_2:
0xd4: {  	(tag) =	ssettag $0x2  }
0xd5: {  	s0 =	rddreg [dreg:$0x0];
	s2 =	stileid.u32  }
0xd6: {  	s1 =	rddreg [dreg:$0x1];
	p0 =	sne.s32 s2, $0x0  }
0xd7: {  	s3 =	rddreg [dreg:$0x2];
	[bflag:$0x3] =	sbarrier.arrive $0xFFFF;
	s2 =	simm.s32 @!p0 $0x1C02  }
0xd8: {  	[timem:s3], [sflag:s2] =	dma.local @!p0 [hbm:s0], s1  }
0xd9: {  	s0 =	simm.s32 @!p0 $0x2  }
0xda: {  	_ =	swait.ge @!p0 [sflag:s0], s1  }
0xdb: {  	s1 =	ssub.s32 @!p0 $0x0, s1;
	[sflag:s0] =	ssyncset.done @!p0 $0x0  }
0xdc: {  	[sflag:s0] =	ssyncadd.s32 @!p0 s1  }
0xdd: {  	[bflag:$0x3] =	sbarrier.arrive $0xFFFF  }
0xde: {  	_ =	shalt  }

// kernel: kernel.8.cloned.1.call-start
scs
__scs_entry_jumppad:
0x0: {  	(pc) =	sbr.rel $0x88, $3  }
0x1: {  	(tag) =	ssettag $0x0;
	lr =	simm.s32 $0x1  }
0x2: {  	[smem:$0x3F9B] =	sst lr;
	_ =	strace $0xD0000000  }
0x3: {  	_ = 	snop  }
0x4: {  	_ = 	snop  }
0x5: {  	_ = 	snop  }
0x6: {  	_ = 	snop  }
0x7: {  	_ = 	snop  }
__scs_overlays_trampoline_lowered:
0x8: {  	[smem:$0x3FAA] =	sst s0  }
0x9: {  	[smem:$0x3FAB] =	sst s1  }
0xa: {  	[smem:$0x3FAC] =	sst s2  }
0xb: {  	[smem:$0x3FAD] =	sst s3  }
0xc: {  	[smem:$0x3FAE] =	sst s4  }
0xd: {  	[smem:$0x3FAF] =	sst s5  }
0xe: {  	[smem:$0x3FB0] =	sst s6  }
0xf: {  	[smem:$0x3FB1] =	sst s7  }
0x10: {  	[smem:$0x3FB2] =	sst s8  }
0x11: {  	[smem:$0x3FB3] =	sst s9;
	s0 =	simm.s32 @!p0 $0x0  }
0x12: {  	s1 =	sld [smem:$0x3F99];
	s0 =	simm.s32 @p0 $0x1  }
0x13: {  	[smem:$0x3FB4] =	sst s0;
	s0 =	simm.s32 @!p1 $0x0  }
0x14: {  	s2 =	sld [smem:$0x3F98];
	s0 =	simm.s32 @p1 $0x1  }
0x15: {  	[smem:$0x3FB5] =	sst s0;
	s0 =	simm.s32 @!p2 $0x0  }
0x16: {  	s3 =	sld [smem:$0x3FDB];
	s0 =	simm.s32 @p2 $0x1  }
0x17: {  	s4 =	simm.s32 $0x1BF5;
	[smem:$0x3FB7] =	sst s0  }
0x18: {  	s0 =	sld [smem:$0x3F9A];
	_ =	swait.ge [sflag:s4], $0x0  }
0x19: {  	s7 =	sld [smem:$0x3F9B]  }
0x1a: {  	s8 =	sadd.s32 $0xFFFFE003, lr  }
0x1b: {  	s9 =	sadd.s32 $0xFFFFFEF7, lr;
	s5 =	simm.s32 $0xFFFFFFFF;
	p2 =	slt.u32 s8, $0xFFFFF086  }
0x1c: {  	p1 =	slt.u32 s9, $0xF7A;
	s5 =	simm.s32 @!p2 $0x0  }
0x1d: {  	s5 =	simm.s32 @p1 $0x1;
	p0 =	seq.s32 s7, s2  }
0x1e: {  	s7 =	smul.u32 @!p0 $0xF7A, s2;
	p2 =	seq.s32 @!p0 s5, $0x0  }
0x1f: {  	s9 =	smul.u32 $0xF7A, s1;
	s8 =	simm.s32 @!p0 $0x1BF5;
	p2 =	por !p2, p0  }
0x20: {  	[sflag:s8] =	ssyncset.s32 @!p0 $0xFFFFF086;
	s6 =	sadd.s32 @!p0 s3, s7;
	s7 =	simm.s32 @!p0 $0x108  }
0x21: {  	s3 =	sadd.s32 s3, s9;
	s6 =	sadd.s32 @!p0 $0x88, s6;
	s7 =	simm.s32 @p2 $0x1082  }
0x22: {  	[simem:s7], [sflag:s8] =	dma.local @!p0 [hbm:s6], $0xF7A  }
0x23: {  	s9 =	sor.u32 $0xD0000000, s2;
	s6 =	simm.s32 $0x108;
	_ =	swait.ge @!p0 [sflag:s8], $0x0  }
0x24: {  	s3 =	sadd.s32 $0x88, s3;
	s6 =	simm.s32 @!p1 $0x1082;
	[sflag:s4] =	ssyncset.s32 $0xFFFFF086  }
0x25: {  	[simem:s6], [sflag:s4] =	dma.local [hbm:s3], $0xF7A  }
0x26: {  	[smem:$0x3F9B] =	sst s1;
	(tag) =	ssettag s2;
	_ =	strace s9  }
0x27: {  	s1 =	sld [smem:$0x3FAB]  }
0x28: {  	s2 =	sld [smem:$0x3FAC]  }
0x29: {  	s4 =	sld [smem:$0x3FAE]  }
0x2a: {  	p0 =	seq.s32 s5, $0x0;
	s5 =	sld [smem:$0x3FAF]  }
0x2b: {  	s6 =	sld [smem:$0x3FB0]  }
0x2c: {  	s7 =	sld [smem:$0x3FB1]  }
0x2d: {  	s3 =	simm.s32 $0x108;
	s8 =	sld [smem:$0x3FB2]  }
0x2e: {  	s3 =	simm.s32 @!p0 $0x1082;
	s9 =	sld [smem:$0x3FB3]  }
0x2f: {  	lr =	sadd.s32 s0, s3;
	s0 =	sld [smem:$0x3FAA]  }
0x30: {  	s3 =	sld [smem:$0x3FAD]  }
0x31: {  	[smem:$0x3FB6] =	sst s10  }
0x32: {  	s10 =	sld [smem:$0x3FB4];
	_ =	sdelay $0x3  }
0x33: {  	p0 =	seq.s32 s10, $0x1;
	s10 =	sld [smem:$0x3FB6];
	_ =	sdelay $0x3  }
0x34: {  	[smem:$0x3FB6] =	sst s10  }
0x35: {  	s10 =	sld [smem:$0x3FB5];
	_ =	sdelay $0x3  }
0x36: {  	p1 =	seq.s32 s10, $0x1;
	s10 =	sld [smem:$0x3FB6];
	_ =	sdelay $0x3  }
0x37: {  	[smem:$0x3FB6] =	sst s10  }
0x38: {  	s10 =	sld [smem:$0x3FB7]  }
0x39: {  	_ = 	snop;
	(pc) =	sbr.ind lr, $3  }
0x3a: {  	_ = 	snop  }
0x3b: {  	_ = 	snop  }
0x3c: {  	p2 =	seq.s32 s10, $0x1;
	s10 =	sld [smem:$0x3FB6]  }
0x3d: {  	_ =	shalt  }
0x3e: {  	_ =	shalt  }
0x3f: {  	_ =	shalt  }
0x40: {  	_ =	shalt  }
0x41: {  	_ =	shalt  }
0x42: {  	_ =	shalt  }
0x43: {  	_ =	shalt  }
0x44: {  	_ =	shalt  }
0x45: {  	_ =	shalt  }
0x46: {  	_ =	shalt  }
0x47: {  	_ =	shalt  }
0x48: {  	_ =	shalt  }
0x49: {  	_ =	shalt  }
0x4a: {  	_ =	shalt  }
0x4b: {  	_ =	shalt  }
0x4c: {  	_ =	shalt  }
0x4d: {  	_ =	shalt  }
0x4e: {  	_ =	shalt  }
0x4f: {  	_ =	shalt  }
0x50: {  	_ =	shalt  }
0x51: {  	_ =	shalt  }
0x52: {  	_ =	shalt  }
0x53: {  	_ =	shalt  }
0x54: {  	_ =	shalt  }
0x55: {  	_ =	shalt  }
0x56: {  	_ =	shalt  }
0x57: {  	_ =	shalt  }
0x58: {  	_ =	shalt  }
0x59: {  	_ =	shalt  }
0x5a: {  	_ =	shalt  }
0x5b: {  	_ =	shalt  }
0x5c: {  	_ =	shalt  }
0x5d: {  	_ =	shalt  }
0x5e: {  	_ =	shalt  }
0x5f: {  	_ =	shalt  }
0x60: {  	_ =	shalt  }
0x61: {  	_ =	shalt  }
0x62: {  	_ =	shalt  }
0x63: {  	_ =	shalt  }
0x64: {  	_ =	shalt  }
0x65: {  	_ =	shalt  }
0x66: {  	_ =	shalt  }
0x67: {  	_ =	shalt  }
0x68: {  	_ =	shalt  }
0x69: {  	_ =	shalt  }
0x6a: {  	_ =	shalt  }
0x6b: {  	_ =	shalt  }
0x6c: {  	_ =	shalt  }
0x6d: {  	_ =	shalt  }
0x6e: {  	_ =	shalt  }
0x6f: {  	_ =	shalt  }
0x70: {  	_ =	shalt  }
0x71: {  	_ =	shalt  }
0x72: {  	_ =	shalt  }
0x73: {  	_ =	shalt  }
0x74: {  	_ =	shalt  }
0x75: {  	_ =	shalt  }
0x76: {  	_ =	shalt  }
0x77: {  	_ =	shalt  }
0x78: {  	_ =	shalt  }
0x79: {  	_ =	shalt  }
0x7a: {  	_ =	shalt  }
0x7b: {  	_ =	shalt  }
0x7c: {  	_ =	shalt  }
0x7d: {  	_ =	shalt  }
0x7e: {  	_ =	shalt  }
0x7f: {  	_ =	shalt  }
0x80: {  	_ =	shalt  }
0x81: {  	_ =	shalt  }
0x82: {  	_ =	shalt  }
0x83: {  	_ =	shalt  }
0x84: {  	_ =	shalt  }
0x85: {  	_ =	shalt  }
0x86: {  	_ =	shalt  }
0x87: {  	_ =	shalt  }
.Lfunc_end0:
.L_simem_size_0:
called_computation.2_lowered:
.L_overlay_start_0:
0x88: {  	s2 =	sld [smem:$0x3FD9]  }
0x89: {  	s3 =	sld [smem:$0x3FFE];
	_ =	sdelay $0x1  }
0x8a: {  	s1 =	srdreg.scid  }
0x8b: {  	s0 =	sand.u32 $0x1, s1  }
0x8c: {  	s17 =	sshll.u32 s0, $0xA;
	s2 =	sadd.s32 s3, s2  }
0x8d: {  	s2 =	sadd.s32 s2, s17  }
0x8e: {  	[smem:$0x3FC2] =	sst s2  }
0x8f: {  	_ = 	snop  }
0x90: {  	s2 =	sld [smem:$0x3FD0];
	(tm) =	ssettm $0x1  }
0x91: {  	s18 =	sld [smem:$0x3FFB];
	_ =	sdelay $0x3  }
0x92: {  	_ =	strace s18  }
0x93: {  	s3 =	sld [smem:$0x3FFC];
	_ =	sdelay $0x3  }
0x94: {  	_ =	strace s3  }
0x95: {  	s3 =	sld [smem:$0x3FFD];
	_ =	sdelay $0x3  }
0x96: {  	_ =	strace s3  }
0x97: {  	_ =	strace $0x8FFFFFFF  }
0x98: {  	s19 =	sld [smem:$0x3FDB];
	_ =	sdelay $0x1  }
0x99: {  	s4 =	simm.s32 $_scs_section_size  }
0x9a: {  	s5 =	simm.s32 $_size__tile_overlayer_lowered;
	s6 =	simm.s32 $_tile_overlayer_lowered  }
0x9b: {  	s22 =	simm.s32 $0x1BFF;
	s21 =	sshll.u32 s6, $0x1;
	s3 =	sadd.s32 s4, s19  }
0x9c: {  	s7 =	simm.s32 $0x0;
	s20 =	sshll.u32 s5, $0x1;
	s5 =	sadd.s32 s21, s3  }
0x9d: {  	[timem:s7], [sflag:s22] =	dma.local [hbm:s5], s20  }
0x9e: {  	_ =	swait.ge [sflag:s22], s20  }
0x9f: {  	s4 =	ssub.s32 $0x0, s20;
	[sflag:s22] =	ssyncset.done $0x0  }
0xa0: {  	[sflag:s22] =	ssyncadd.s32 s4;
	_ =	sdelay $0x1  }
0xa1: {  	s23 =	simm.s32 $0x1B8B  }
0xa2: {  	_ =	swait.ge [sflag:s23], $0x1  }
0xa3: {  	[sflag:s23] =	ssyncset.done $0x0  }
0xa4: {  	s25 =	simm.s32 $0x1B8E;
	s24 =	sld [smem:$0x3FFE];
	[sflag:s23] =	ssyncadd.s32 $0xFFFFFFFF  }
0xa5: {  	s26 =	simm.s32 $execute0_lowered;
	[smem:$0x3FD2] =	sst s25  }
0xa6: {  	s5 =	sshll.u32 s26, $0x1;
	_ =	strace $0x8000004C;
	[dreg:$0x1] =	wrdreg $0xFFFFFFFF  }
0xa7: {  	s28 =	simm.s32 $_size_execute0_lowered;
	s3 =	sadd.s32 s3, s5;
	[dreg:$0x0] =	wrdreg $0x0  }
0xa8: {  	s5 =	sshll.u32 s28, $0x1;
	[dreg:$0x2] =	wrdreg s3  }
0xa9: {  	[dreg:$0x3] =	wrdreg s5  }
0xaa: {  	[dreg:$0x4] =	wrdreg $0xC0  }
0xab: {  	_ =	task [dreg:s7], $0x5FFFF  }
0xac: {  	[dreg:$0x1] =	wrdreg $0xFFFFFFFF  }
0xad: {  	[dreg:$0x0] =	wrdreg $0x60  }
0xae: {  	[dreg:$0x2] =	wrdreg s24  }
0xaf: {  	[dreg:$0x3] =	wrdreg s2  }
0xb0: {  	[dreg:$0x4] =	wrdreg $0x9  }
0xb1: {  	_ =	task.clear_ibuf [dreg:s7], $0x5FFFF;
	_ =	strace $0x9000004C  }
0xb2: {  	s29 =	simm.s32 $0x9;
	_ =	strace $0x8000004E  }
0xb3: {  	_ =	swait.ge [sflag:s29], $0x1  }
0xb4: {  	[sflag:s29] =	ssyncadd.s32 $0xFFFFFFFF  }
0xb5: {  	_ =	strace $0x9000004E  }
0xb6: {  	_ =	sfence  }
0xb7: {  	s30 =	sld [smem:$0x0];
	_ =	sdelay $0x2  }
0xb8: {  	s31 =	sshll.u32 s1, $0xD;
	s1 =	sshrl.u32 s1, $0x2  }
0xb9: {  	s3 =	sand.u32 $0x4000, s31;
	s1 =	sadd.s32 s1, s30  }
0xba: {  	s0 =	sor.u32 s3, s0;
	s1 =	sshll.u32 s1, $0x11  }
0xbb: {  	s0 =	sor.u32 s1, s0  }
0xbc: {  	s0 =	sadd.s32 $0x8F2B, s0  }
0xbd: {  	[sflag:s0] =	ssyncadd.remote.s32 $0x1  }
0xbe: {  	_ =	sfence.sel $0xFFFF  }
0xbf: {  	[dreg:$0x0] =	wrdreg $0xFFFFFFFF;
	(pc) =	sbr.abs _section_cstart, $3  }
0xc0: {  	[dreg:$0x1] =	wrdreg $0xFFFFFFFF  }
0xc1: {  	_ =	task.clear_ibuf [dreg:s7], $0x2FFFF;
	_ =	strace $0x9FFFFFFF  }
0xc2: {  	(tm) =	ssettm $0x7FFFFFFF  }
0xc3: {  	_ =	shalt  }
tec
execute0_lowered:
.L_overlay_start_1:
0x0: {  	(tag) =	ssettag $0x1  }
0x1: {  	s0 =	rddreg [dreg:$0x0]  }
0x2: {  	s1 =	rddreg [dreg:$0x1];
	s2 =	simm.s32 $0x0;
	s3 =	srdreg.scid  }
0x3: {  	s5 =	stileid.u32;
	s11 =	simm.s32 $0x2;
	s20 =	simm.s32 $0x10080  }
0x4: {  	s21 =	simm.s32 $0x10880;
	s22 =	simm.s32 $0x11080;
	s23 =	simm.s32 $0x11880  }
0x5: {  	s24 =	simm.s32 $0x1;
	s25 =	simm.s32 $0x12080;
	s26 =	simm.s32 $0x0  }
0x6: {  	[smem:$0x7FF] =	sst s2;
	s4 =	sand.u32 $0x1, s3;
	s5 =	sshll.u32 s5, $0x1  }
0x7: {  	s3 =	sadd.s32 $0x1200, s0;
	s8 =	sadd.s32 $0x1500, s0;
	s9 =	sor.u32 s4, s5  }
0x8: {  	_ =	strace $0x8000004D;
	s4 =	ssub.s32 $0x2, s4;
	s5 =	sshll.u32 s9, $0x3  }
0x9: {  	s6 =	sshll.u32 s9, $0xA;
	s7 =	sshrl.u32 s4, $0x1;
	s31 =	sshll.u32 s9, $0xC  }
0xa: {  	v2 =	vlaneseq.u32;
	s5 =	sadd.s32 s5, s0;
	s6 =	sadd.s32 s6, s0;
	s10 =	ssub.s32 s4, s7  }
0xb: {  	vm0 =	vmmov $0xffff;
	v1 =	vshrl.u32 v2, $0x3;
	s7 =	sadd.s32 $0x1400, s0;
	s9 =	sadd.s32 s1, s31;
	s4 =	sadd.s32 $0x1000, s5  }
0xc: {  	v0 =	vand.u32 $0x7, v2;
	v2 =	vor.u32 $0x8, v2;
	v1 =	vmul.u32 $0x8, v1;
	s5 =	sadd.s32 $0x61200, s6;
	s6 =	sadd.s32 $0x1300, s0;
	s10 =	smax.u32 s10, $0x1  }
.LBB2_1:
0xd: {  	[tilespmem:s2], [sflag:$0x2] =	stream.linear.gather [hbm4b:s4+s2], $0x40, $0x38;
	[tilespmem:$0x1A080] =	vst v63  }
0xe: {  	_ =	swait.ge [sflag:s11], $0x40  }
0xf: {  	[sflag:s11] =	ssyncset.done $0x0  }
0x10: {  	s0 =	simm.s32 $0x80;
	[sflag:s11] =	ssyncadd.s32 $0xFFFFFFC0  }
0x11: {  	[tilespmem:s0], [sflag:$0x2] =	stream.linear.gather [hbm4b:s5+s2], $0x2000, $0x38;
	[tilespmem:$0x1A080] =	vst v63  }
0x12: {  	_ =	swait.ge [sflag:s11], $0x2000  }
0x13: {  	[sflag:s11] =	ssyncset.done $0x0  }
0x14: {  	[sflag:s11] =	ssyncadd.s32 $0xFFFFE000  }
0x15: {  	v3 =	vld [tilespmem:$0x0];
	_ =	sdelay $0x4  }
0x16: {  	v4 =	vshll.u32 v3, $0x3  }
0x17: {  	v3 =	vand.u32 $0x7, v3;
	v4 =	vand.u32 $0xFFFFFFC0, v4  }
0x18: {  	v3 =	vor.u32 v3, v4  }
0x19: {  	v4 =	vperm.xlane v3, v0;
	_ =	sdelay $0x1  }
0x1a: {  	v4 =	vadd.s32 v1, v4;
	_ =	sdelay $0x3  }
0x1b: {  	s19 =	simm.s32 $0x2080  }
0x1c: {  	[tilespmem:s19], [sflag:$0x1] =	stream.indirect_vreg.gather [hbm4b:s3+s2], $0x80, v4, vm0, $0xb8;
	[tilespmem:$0x1A080] =	vst v63  }
0x1d: {  	s29 =	simm.s32 $0x2880;
	v3 =	vperm.xlane v3, v2  }
0x1e: {  	[tilespmem:s29], [sflag:$0x1] =	stream.indirect_vreg.gather [hbm4b:s6+s2], $0x80, v4, vm0, $0xb8;
	[tilespmem:$0x1A080] =	vst v63  }
0x1f: {  	s30 =	simm.s32 $0x3080;
	v3 =	vadd.s32 v1, v3  }
0x20: {  	[tilespmem:s30], [sflag:$0x1] =	stream.indirect_vreg.gather [hbm4b:s7+s2], $0x80, v4, vm0, $0xb8;
	[tilespmem:$0x1A080] =	vst v63  }
0x21: {  	s31 =	simm.s32 $0x3880  }
0x22: {  	[tilespmem:s31], [sflag:$0x1] =	stream.indirect_vreg.gather [hbm4b:s8+s2], $0x80, v4, vm0, $0xb8;
	[tilespmem:$0x1A080] =	vst v63  }
0x23: {  	s1 =	simm.s32 $0x4080  }
0x24: {  	[tilespmem:s1], [sflag:$0x1] =	stream.indirect_vreg.gather [hbm4b:s3+s2], $0x80, v3, vm0, $0xb8;
	[tilespmem:$0x1A080] =	vst v63  }
0x25: {  	s12 =	simm.s32 $0x4880  }
0x26: {  	[tilespmem:s12], [sflag:$0x1] =	stream.indirect_vreg.gather [hbm4b:s6+s2], $0x80, v3, vm0, $0xb8;
	[tilespmem:$0x1A080] =	vst v63  }
0x27: {  	s13 =	simm.s32 $0x5080  }
0x28: {  	[tilespmem:s13], [sflag:$0x1] =	stream.indirect_vreg.gather [hbm4b:s7+s2], $0x80, v3, vm0, $0xb8;
	[tilespmem:$0x1A080] =	vst v63  }
0x29: {  	s14 =	simm.s32 $0x5880  }
0x2a: {  	[tilespmem:s14], [sflag:$0x1] =	stream.indirect_vreg.gather [hbm4b:s8+s2], $0x80, v3, vm0, $0xb8;
	[tilespmem:$0x1A080] =	vst v63  }
0x2b: {  	v3 =	vld [tilespmem:$0x10];
	_ =	sdelay $0x4  }
0x2c: {  	v61 =	vshll.u32 v3, $0x3  }
0x2d: {  	v3 =	vand.u32 $0x7, v3;
	v4 =	vand.u32 $0xFFFFFFC0, v61  }
0x2e: {  	v3 =	vor.u32 v3, v4  }
0x2f: {  	v4 =	vperm.xlane v3, v0;
	_ =	sdelay $0x1  }
0x30: {  	v4 =	vadd.s32 v1, v4;
	_ =	sdelay $0x3  }
0x31: {  	s15 =	simm.s32 $0x6080  }
0x32: {  	[tilespmem:s15], [sflag:$0x1] =	stream.indirect_vreg.gather [hbm4b:s3+s2], $0x80, v4, vm0, $0xb8;
	[tilespmem:$0x1A080] =	vst v63  }
0x33: {  	s16 =	simm.s32 $0x6880;
	v3 =	vperm.xlane v3, v2  }
0x34: {  	[tilespmem:s16], [sflag:$0x1] =	stream.indirect_vreg.gather [hbm4b:s6+s2], $0x80, v4, vm0, $0xb8;
	[tilespmem:$0x1A080] =	vst v63  }
0x35: {  	s17 =	simm.s32 $0x7080;
	v3 =	vadd.s32 v1, v3  }
0x36: {  	[tilespmem:s17], [sflag:$0x1] =	stream.indirect_vreg.gather [hbm4b:s7+s2], $0x80, v4, vm0, $0xb8;
	[tilespmem:$0x1A080] =	vst v63  }
0x37: {  	s18 =	simm.s32 $0x7880  }
0x38: {  	[tilespmem:s18], [sflag:$0x1] =	stream.indirect_vreg.gather [hbm4b:s8+s2], $0x80, v4, vm0, $0xb8;
	[tilespmem:$0x1A080] =	vst v63  }
0x39: {  	s19 =	simm.s32 $0x8080  }
0x3a: {  	[tilespmem:s19], [sflag:$0x1] =	stream.indirect_vreg.gather [hbm4b:s3+s2], $0x80, v3, vm0, $0xb8;
	[tilespmem:$0x1A080] =	vst v63  }
0x3b: {  	s29 =	simm.s32 $0x8880  }
0x3c: {  	[tilespmem:s29], [sflag:$0x1] =	stream.indirect_vreg.gather [hbm4b:s6+s2], $0x80, v3, vm0, $0xb8;
	[tilespmem:$0x1A080] =	vst v63  }
0x3d: {  	s30 =	simm.s32 $0x9080  }
0x3e: {  	[tilespmem:s30], [sflag:$0x1] =	stream.indirect_vreg.gather [hbm4b:s7+s2], $0x80, v3, vm0, $0xb8;
	[tilespmem:$0x1A080] =	vst v63  }
0x3f: {  	s31 =	simm.s32 $0x9880  }
0x40: {  	[tilespmem:s31], [sflag:$0x1] =	stream.indirect_vreg.gather [hbm4b:s8+s2], $0x80, v3, vm0, $0xb8;
	[tilespmem:$0x1A080] =	vst v63  }
0x41: {  	v3 =	vld [tilespmem:$0x20];
	_ =	sdelay $0x4  }
0x42: {  	v62 =	vshll.u32 v3, $0x3  }
0x43: {  	v3 =	vand.u32 $0x7, v3;
	v4 =	vand.u32 $0xFFFFFFC0, v62  }
0x44: {  	v3 =	vor.u32 v3, v4  }
0x45: {  	v4 =	vperm.xlane v3, v0;
	_ =	sdelay $0x1  }
0x46: {  	v4 =	vadd.s32 v1, v4;
	_ =	sdelay $0x3  }
0x47: {  	s1 =	simm.s32 $0xA080  }
0x48: {  	[tilespmem:s1], [sflag:$0x1] =	stream.indirect_vreg.gather [hbm4b:s3+s2], $0x80, v4, vm0, $0xb8;
	[tilespmem:$0x1A080] =	vst v63  }
0x49: {  	s12 =	simm.s32 $0xA880;
	v3 =	vperm.xlane v3, v2  }
0x4a: {  	[tilespmem:s12], [sflag:$0x1] =	stream.indirect_vreg.gather [hbm4b:s6+s2], $0x80, v4, vm0, $0xb8;
	[tilespmem:$0x1A080] =	vst v63  }
0x4b: {  	s13 =	simm.s32 $0xB080;
	v3 =	vadd.s32 v1, v3  }
0x4c: {  	[tilespmem:s13], [sflag:$0x1] =	stream.indirect_vreg.gather [hbm4b:s7+s2], $0x80, v4, vm0, $0xb8;
	[tilespmem:$0x1A080] =	vst v63  }
0x4d: {  	s14 =	simm.s32 $0xB880  }
0x4e: {  	[tilespmem:s14], [sflag:$0x1] =	stream.indirect_vreg.gather [hbm4b:s8+s2], $0x80, v4, vm0, $0xb8;
	[tilespmem:$0x1A080] =	vst v63  }
0x4f: {  	s15 =	simm.s32 $0xC080  }
0x50: {  	[tilespmem:s15], [sflag:$0x1] =	stream.indirect_vreg.gather [hbm4b:s3+s2], $0x80, v3, vm0, $0xb8;
	[tilespmem:$0x1A080] =	vst v63  }
0x51: {  	s16 =	simm.s32 $0xC880  }
0x52: {  	[tilespmem:s16], [sflag:$0x1] =	stream.indirect_vreg.gather [hbm4b:s6+s2], $0x80, v3, vm0, $0xb8;
	[tilespmem:$0x1A080] =	vst v63  }
0x53: {  	s17 =	simm.s32 $0xD080  }
0x54: {  	[tilespmem:s17], [sflag:$0x1] =	stream.indirect_vreg.gather [hbm4b:s7+s2], $0x80, v3, vm0, $0xb8;
	[tilespmem:$0x1A080] =	vst v63  }
0x55: {  	s18 =	simm.s32 $0xD880  }
0x56: {  	[tilespmem:s18], [sflag:$0x1] =	stream.indirect_vreg.gather [hbm4b:s8+s2], $0x80, v3, vm0, $0xb8;
	[tilespmem:$0x1A080] =	vst v63  }
0x57: {  	v3 =	vld [tilespmem:$0x30];
	_ =	sdelay $0x4  }
0x58: {  	v63 =	vshll.u32 v3, $0x3  }
0x59: {  	v3 =	vand.u32 $0x7, v3;
	v4 =	vand.u32 $0xFFFFFFC0, v63  }
0x5a: {  	v3 =	vor.u32 v3, v4  }
0x5b: {  	v4 =	vperm.xlane v3, v0;
	_ =	sdelay $0x1  }
0x5c: {  	v4 =	vadd.s32 v1, v4;
	_ =	sdelay $0x3  }
0x5d: {  	s19 =	simm.s32 $0xE080  }
0x5e: {  	[tilespmem:s19], [sflag:$0x1] =	stream.indirect_vreg.gather [hbm4b:s3+s2], $0x80, v4, vm0, $0xb8;
	[tilespmem:$0x1A080] =	vst v63  }
0x5f: {  	s29 =	simm.s32 $0xE880;
	v3 =	vperm.xlane v3, v2  }
0x60: {  	[tilespmem:s29], [sflag:$0x1] =	stream.indirect_vreg.gather [hbm4b:s6+s2], $0x80, v4, vm0, $0xb8;
	[tilespmem:$0x1A080] =	vst v63  }
0x61: {  	s30 =	simm.s32 $0xF080;
	v3 =	vadd.s32 v1, v3  }
0x62: {  	[tilespmem:s30], [sflag:$0x1] =	stream.indirect_vreg.gather [hbm4b:s7+s2], $0x80, v4, vm0, $0xb8;
	[tilespmem:$0x1A080] =	vst v63  }
0x63: {  	s31 =	simm.s32 $0xF880  }
0x64: {  	[tilespmem:s31], [sflag:$0x1] =	stream.indirect_vreg.gather [hbm4b:s8+s2], $0x80, v4, vm0, $0xb8;
	[tilespmem:$0x1A080] =	vst v63  }
0x65: {  	_ = 	snop  }
0x66: {  	[tilespmem:s20], [sflag:$0x1] =	stream.indirect_vreg.gather [hbm4b:s3+s2], $0x80, v3, vm0, $0xb8;
	[tilespmem:$0x1A080] =	vst v63  }
0x67: {  	_ = 	snop  }
0x68: {  	[tilespmem:s21], [sflag:$0x1] =	stream.indirect_vreg.gather [hbm4b:s6+s2], $0x80, v3, vm0, $0xb8;
	[tilespmem:$0x1A080] =	vst v63  }
0x69: {  	_ = 	snop  }
0x6a: {  	[tilespmem:s22], [sflag:$0x1] =	stream.indirect_vreg.gather [hbm4b:s7+s2], $0x80, v3, vm0, $0xb8;
	[tilespmem:$0x1A080] =	vst v63  }
0x6b: {  	_ = 	snop  }
0x6c: {  	[tilespmem:s23], [sflag:$0x1] =	stream.indirect_vreg.gather [hbm4b:s8+s2], $0x80, v3, vm0, $0xb8;
	[tilespmem:$0x1A080] =	vst v63  }
0x6d: {  	_ =	swait.ge [sflag:s24], $0x10000  }
0x6e: {  	[sflag:s24] =	ssyncset.done $0x0  }
0x6f: {  	s28 =	simm.s32 $0x0;
	[sflag:s24] =	ssyncadd.s32 $0xFFFF0000  }
.LBB2_2:
0x70: {  	s0 =	sshll.u32 s28, $0xB;
	s1 =	sshll.u32 s28, $0x8  }
0x71: {  	s12 =	sshll.u32 s28, $0xA;
	s16 =	sshllo.u32 s28, $0x1;
	s17 =	sshll.u32 s28, $0x7  }
0x72: {  	s0 =	sand.u32 $0xE000, s0;
	s29 =	sand.u32 $0x300, s1;
	s13 =	sshll.u32 s16, $0x7  }
0x73: {  	s14 =	sand.u32 $0x6000, s12;
	s15 =	sand.u32 $0x380, s17;
	s19 =	sshll.u32 s16, $0x9  }
0x74: {  	s16 =	simm.s32 $0x10;
	s18 =	sor.u32 s15, s14;
	s14 =	simm.s32 $0x0  }
0x75: {  	s31 =	sadd.s32 $0x2080, s0;
	s1 =	sand.u32 $0x380, s13;
	s0 =	sand.u32 $0x1C00, s14  }
0x76: {  	s13 =	sshrl.u32 s19, $0x2;
	s15 =	sshrl.u32 s12, $0x2;
	s17 =	sadd.s32 s0, s31  }
0x77: {  	s30 =	sadd.s32 $0x12080, s18;
	s12 =	sand.u32 $0x70, s14;
	s18 =	sadd.s32 s29, s17  }
.LBB2_3:
0x78: {  	p0 =	sne.s32 s16, $0x3F0;
	s18 =	sadd.s32 s12, s18;
	v3 =	vld [tilespmem:s15+$0x80];
	s17 =	sadd.s32 s1, s17  }
0x79: {  	v4 =	vld [tilespmem:s18+$0x0];
	s17 =	sadd.s32 s12, s17  }
0x7a: {  	v5 =	vld [tilespmem:s17+$0x0]  }
0x7b: {  	v6 =	vld [tilespmem:s13+$0x80];
	_ =	sdelay $0x4  }
.Ltmp0:
0x7c: {  	v3 =	vmul.f32 v3, v4;
	v4 =	vmul.f32 v6, v5;
	(pc) =	sbr.rel @p0 .LBB2_3-.Ltmp0, $4  }
0x7d: {  	s14 =	sadd.s32 $0x80, s14  }
0x7e: {  	s18 =	sadd.s32 s0, s30;
	s0 =	sand.u32 $0x1C00, s14;
	v3 =	vadd.f32 v4, v3  }
0x7f: {  	s17 =	sadd.s32 s0, s31;
	s19 =	sadd.s32 s12, s18  }
0x80: {  	s12 =	sand.u32 $0x70, s16;
	s16 =	sadd.s32 $0x10, s16;
	s18 =	sadd.s32 s29, s17;
	[tilespmem:s19+$0x0] =	vst v3  }
0x81: {  	v3 =	vld [tilespmem:s15+$0x80]  }
0x82: {  	s14 =	sadd.s32 s12, s18;
	s1 =	sadd.s32 s1, s17;
	v6 =	vld [tilespmem:s13+$0x80]  }
0x83: {  	v4 =	vld [tilespmem:s14+$0x0];
	s1 =	sadd.s32 s12, s1  }
0x84: {  	v5 =	vld [tilespmem:s1+$0x0];
	_ =	sdelay $0x2  }
0x85: {  	s28 =	sadd.s32 $0x1, s28  }
0x86: {  	p0 =	sne.s32 s28, $0x20  }
.Ltmp1:
0x87: {  	v3 =	vmul.f32 v3, v4;
	v63 =	vmul.f32 v6, v5;
	(pc) =	sbr.rel @p0 .LBB2_2-.Ltmp1, $4  }
0x88: {  	_ = 	snop  }
0x89: {  	s0 =	sadd.s32 s0, s30;
	v3 =	vadd.f32 v63, v3  }
0x8a: {  	s0 =	sadd.s32 s12, s0  }
0x8b: {  	[tilespmem:s0+$0x0] =	vst v3  }
0x8c: {  	s26 =	sadd.s32 $0x1, s26  }
0x8d: {  	p0 =	sne.s32 s26, s10  }
.Ltmp2:
0x8e: {  	_ = 	snop;
	(pc) =	sbr.rel @p0 .LBB2_1-.Ltmp2, $4  }
0x8f: {  	[hbm4b:s9+s2] =	stream.linear.scatter [tilespmem:s25], [sflag:$0x2], $0x8000, $0x38;
	[tilespmem:$0x1A080] =	vst v63  }
0x90: {  	_ =	swait.ge [sflag:s11], $0x8000  }
0x91: {  	[sflag:s11] =	ssyncset.done $0x0  }
0x92: {  	[sflag:s11] =	ssyncadd.s32 $0xFFFF8000  }
0x93: {  	_ =	sfence.sel $0x180000  }
0x94: {  	[bflag:$0x0] =	sbarrier.arrive $0xFFFF  }
0x95: {  	_ =	strace $0x9000004D  }
0x96: {  	s0 =	stileid.u32;
	[bflag:$0x2] =	sbarrier.arrive $0xFFFF  }
0x97: {  	p0 =	sne.s32 s0, $0x0;
	s0 =	rddreg [dreg:$0x2]  }
0x98: {  	s0 =	sadd.s32 @!p0 $0x100000, s0  }
0x99: {  	[sflag:s0] =	ssyncadd.tile.s32 @!p0 $0x1;
	_ =	shalt  }
.Lfunc_end2:
_tile_overlayer_lowered:
.L_overlay_start_2:
0x9a: {  	(tag) =	ssettag $0x2  }
0x9b: {  	s0 =	rddreg [dreg:$0x0];
	s2 =	stileid.u32  }
0x9c: {  	s1 =	rddreg [dreg:$0x1];
	p0 =	sne.s32 s2, $0x0  }
0x9d: {  	s3 =	rddreg [dreg:$0x2];
	[bflag:$0x3] =	sbarrier.arrive $0xFFFF;
	s2 =	simm.s32 @!p0 $0x1C02  }
0x9e: {  	[timem:s3], [sflag:s2] =	dma.local @!p0 [hbm:s0], s1  }
0x9f: {  	s0 =	simm.s32 @!p0 $0x2  }
0xa0: {  	_ =	swait.ge @!p0 [sflag:s0], s1  }
0xa1: {  	s1 =	ssub.s32 @!p0 $0x0, s1;
	[sflag:s0] =	ssyncset.done @!p0 $0x0  }
0xa2: {  	[sflag:s0] =	ssyncadd.s32 @!p0 s1  }
0xa3: {  	[bflag:$0x3] =	sbarrier.arrive $0xFFFF  }
0xa4: {  	_ =	shalt  }

</sc_bundles>
